<compile_context>
chip_gen: v7x
topology: tpu7x:2x2x1
jax: 0.10.2.dev20260603
libtpu: 0.0.44.dev20260713+nightly
codegen_flags: <defaults>
</compile_context>

<pallas_src>
import functools

import jax
import jax.numpy as jnp
from jax import lax
from jax.experimental import pallas as pl
from jax.experimental.pallas import tpu as pltpu
from jax.experimental.pallas import tpu_sc as plsc

B = 4
S = 4096
N = 2048
D = 768

NW = 32
SPW = B * N // NW
CS = 16
NCHUNK = SPW // CS
NBUF = 4

_mesh = plsc.VectorSubcoreMesh(core_axis_name="c", subcore_axis_name="s")


@functools.partial(
    pl.kernel,
    mesh=_mesh,
    out_type=jax.ShapeDtypeStruct((B, N, 2 * D), jnp.float32),
    scratch_types=[
        pltpu.VMEM((SPW,), jnp.int32),
        pltpu.VMEM((SPW,), jnp.int32),
        pltpu.VMEM((CS, 2 * D), jnp.float32),
        pltpu.VMEM((CS, 2 * D), jnp.float32),
        pltpu.VMEM((CS, 2 * D), jnp.float32),
        pltpu.VMEM((CS, 2 * D), jnp.float32),
    ]
    + [pltpu.SemaphoreType.DMA] * 8,
)
def _sc_gather(
    table_hbm, sidx_hbm, eidx_hbm, out_hbm,
    idx_s, idx_e, buf0, buf1, buf2, buf3, *sems,
):
    wid = lax.axis_index("s") * 2 + lax.axis_index("c")
    sbase = wid * SPW
    b = sbase // N
    nb = sbase - b * N
    pltpu.sync_copy(sidx_hbm.at[pl.ds(sbase, SPW)], idx_s)
    pltpu.sync_copy(eidx_hbm.at[pl.ds(sbase, SPW)], idx_e)

    bufs = (buf0, buf1, buf2, buf3)
    gsems = sems[:4]
    wsems = sems[4:]

    def start_gathers(ci):
        k = ci % NBUF
        hs = pltpu.async_copy(
            table_hbm.at[idx_s.at[pl.ds(ci * CS, CS)]],
            bufs[k].at[:, pl.ds(0, D)],
            gsems[k],
        )
        he = pltpu.async_copy(
            table_hbm.at[idx_e.at[pl.ds(ci * CS, CS)]],
            bufs[k].at[:, pl.ds(D, D)],
            gsems[k],
        )
        return hs, he

    writes = {}
    pending = {}
    for j in range(NBUF - 1):
        pending[j] = start_gathers(j)
    for ci in range(NCHUNK):
        nxt = ci + NBUF - 1
        if nxt < NCHUNK:
            if nxt - NBUF in writes:
                writes.pop(nxt - NBUF).wait()
            pending[nxt] = start_gathers(nxt)
        cur_s, cur_e = pending.pop(ci)
        cur_s.wait()
        cur_e.wait()
        k = ci % NBUF
        writes[ci] = pltpu.async_copy(
            bufs[k], out_hbm.at[b, pl.ds(nb + ci * CS, CS), :], wsems[k]
        )
    for ci in sorted(writes):
        writes[ci].wait()


def kernel(sequence_tensor, span_indices):
    table = sequence_tensor.reshape(B * S, D)
    si = span_indices.astype(jnp.int32) + (
        jnp.arange(B, dtype=jnp.int32) * S
    )[:, None, None]
    starts = si[..., 0].reshape(B * N)
    ends = si[..., 1].reshape(B * N)
    return _sc_gather(table, starts, ends)

# --- scband reference (transcript-rebuilt; emitter-appended) ---
"""Pipeline reference for scband-endpoint-span-extractor-48576080118506 (READ-ONLY COPY).

The authoritative reference and input builder live on the scoring server;
editing this copy changes nothing except your own understanding.
"""

import jax, jax.numpy as jnp
import numpy as np


def setup_inputs(seed: int = 0) -> dict:
    key = jax.random.key(seed)
    k1, k2 = jax.random.split(key)
    sequence_tensor = jax.random.normal(k1, (4, 4096, 768), dtype=jnp.float32)
    span_indices = jax.random.randint(k2, (4, 2048, 2), 0, 4096, dtype=jnp.int64)
    return {"sequence_tensor": sequence_tensor, "span_indices": span_indices}


def reference(sequence_tensor, span_indices):
    # split span indices into starts and ends: [B, num_spans]
    span_starts = span_indices[..., 0]
    span_ends = span_indices[..., 1]
    # batched_index_select: gather token embeddings at span endpoints
    start_embeddings = jnp.take_along_axis(
        sequence_tensor, span_starts[..., None], axis=1
    )  # [B, num_spans, D]
    end_embeddings = jnp.take_along_axis(
        sequence_tensor, span_ends[..., None], axis=1
    )  # [B, num_spans, D]
    # combination 'x,y' -> concatenate endpoint embeddings
    combined = jnp.concatenate([start_embeddings, end_embeddings], axis=-1)
    return combined

if __name__ == "__main__":
    import jax
    _d = setup_inputs()
    print(jax.jit(kernel)(*tuple(_d.values())))

</pallas_src>

<mosaic_0001>
#map = affine_map<(d0, d1) -> (0, 0)>
#map1 = affine_map<(d0, d1) -> (0)>
#map2 = affine_map<(d0, d1) -> (0, 0, 0)>
module attributes {stable_mosaic.version = 14 : i64} {
  func.func @_sc_gather(%arg0: i32, %arg1: i32, %arg2: memref<16384x768xf32, #tpu.memory_space<hbm>>, %arg3: memref<8192xi32, #tpu.memory_space<hbm>>, %arg4: memref<8192xi32, #tpu.memory_space<hbm>>, %arg5: memref<4x2048x1536xf32, #tpu.memory_space<hbm>>, %arg6: memref<256xi32, #tpu.memory_space<vmem>>, %arg7: memref<256xi32, #tpu.memory_space<vmem>>, %arg8: memref<16x1536xf32, #tpu.memory_space<vmem>>, %arg9: memref<16x1536xf32, #tpu.memory_space<vmem>>, %arg10: memref<16x1536xf32, #tpu.memory_space<vmem>>, %arg11: memref<16x1536xf32, #tpu.memory_space<vmem>>, %arg12: memref<!tpu.dma_semaphore, #tpu.memory_space<semaphore_mem>>, %arg13: memref<!tpu.dma_semaphore, #tpu.memory_space<semaphore_mem>>, %arg14: memref<!tpu.dma_semaphore, #tpu.memory_space<semaphore_mem>>, %arg15: memref<!tpu.dma_semaphore, #tpu.memory_space<semaphore_mem>>, %arg16: memref<!tpu.dma_semaphore, #tpu.memory_space<semaphore_mem>>, %arg17: memref<!tpu.dma_semaphore, #tpu.memory_space<semaphore_mem>>, %arg18: memref<!tpu.dma_semaphore, #tpu.memory_space<semaphore_mem>>, %arg19: memref<!tpu.dma_semaphore, #tpu.memory_space<semaphore_mem>>) attributes {dimension_semantics = [#tpu.dimension_semantics<core_parallel>, #tpu.dimension_semantics<subcore_parallel>], iteration_bounds = array<i64: 2, 16>, scalar_prefetch = 0 : i64, scratch_operands = 14 : i64, tpu.core_type = #tpu.core_type<sc_vector_subcore>, window_params = [{transform_indices = #map}, {transform_indices = #map1}, {transform_indices = #map1}, {transform_indices = #map2}]} {
    %mul3A = arith.constant 2 : i32
    %mul3A_0 = arith.muli %arg1, %mul3A : i32
    %add3A = arith.addi %mul3A_0, %arg0 : i32
    %mul3A_1 = arith.constant 256 : i32
    %mul3A_2 = arith.muli %add3A, %mul3A_1 : i32
    %jit3A = arith.constant 2048 : i32
    %div3A = arith.divsi %mul3A_2, %jit3A : i32
    %sign3A = arith.constant 0 : i32
    %sign3A_3 = arith.cmpi sgt, %mul3A_2, %sign3A : i32
    %sign3A_4 = arith.extui %sign3A_3 : i1 to i32
    %sign3A_5 = arith.constant 0 : i32
    %sign3A_6 = arith.cmpi slt, %mul3A_2, %sign3A_5 : i32
    %sign3A_7 = arith.extui %sign3A_6 : i1 to i32
    %sign3A_8 = arith.subi %sign3A_4, %sign3A_7 : i32
    %sign3A_9 = arith.constant 0 : i32
    %sign3A_10 = arith.cmpi sgt, %jit3A, %sign3A_9 : i32
    %sign3A_11 = arith.extui %sign3A_10 : i1 to i32
    %sign3A_12 = arith.constant 0 : i32
    %sign3A_13 = arith.cmpi slt, %jit3A, %sign3A_12 : i32
    %sign3A_14 = arith.extui %sign3A_13 : i1 to i32
    %sign3A_15 = arith.subi %sign3A_11, %sign3A_14 : i32
    %ne3A = arith.cmpi ne, %sign3A_8, %sign3A_15 : i32
    %rem3A = arith.remsi %mul3A_2, %jit3A : i32
    %ne3A_16 = arith.constant 0 : i32
    %ne3A_17 = arith.cmpi ne, %rem3A, %ne3A_16 : i32
    %and3A = arith.andi %ne3A, %ne3A_17 : i1
    %sub3A = arith.constant 1 : i32
    %sub3A_18 = arith.subi %div3A, %sub3A : i32
    %select_n3A = arith.select %and3A, %sub3A_18, %div3A : i32
    %mul3A_19 = arith.constant 2048 : i32
    %mul3A_20 = arith.muli %select_n3A, %mul3A_19 : i32
    %sub3A_21 = arith.subi %mul3A_2, %mul3A_20 : i32
    "tpu.region"() ({
      %run_scoped3A = tpu.sem_alloc : memref<!tpu.dma_semaphore, #tpu.memory_space<semaphore_mem>>
      %dma_start3A_756 = tpu.memref_slice %arg3[%mul3A_2] : memref<8192xi32, #tpu.memory_space<hbm>> -> memref<256xi32, #tpu.memory_space<hbm>>
      %dma_start3A_757 = tpu.memref_slice %arg3[%mul3A_2] : memref<8192xi32, #tpu.memory_space<hbm>> -> memref<256xi32, #tpu.memory_space<hbm>>
      tpu.enqueue_dma source(%dma_start3A_757 : memref<256xi32, #tpu.memory_space<hbm>>) target(%arg6 : memref<256xi32, #tpu.memory_space<vmem>>) target_semaphore(%run_scoped3A : memref<!tpu.dma_semaphore, #tpu.memory_space<semaphore_mem>>)
      %dma_wait3A_758 = tpu.memref_slice %arg3[%mul3A_2] : memref<8192xi32, #tpu.memory_space<hbm>> -> memref<256xi32, #tpu.memory_space<hbm>>
      %dma_wait3A_759 = tpu.memref_slice %arg3[%mul3A_2] : memref<8192xi32, #tpu.memory_space<hbm>> -> memref<256xi32, #tpu.memory_space<hbm>>
      tpu.wait_dma2 semaphore(%run_scoped3A : memref<!tpu.dma_semaphore, #tpu.memory_space<semaphore_mem>>) src(%dma_wait3A_759 : memref<256xi32, #tpu.memory_space<hbm>>) dst(%arg6 : memref<256xi32, #tpu.memory_space<vmem>>)
      tpu.yield
    }) : () -> ()
    "tpu.region"() ({
      %run_scoped3A = tpu.sem_alloc : memref<!tpu.dma_semaphore, #tpu.memory_space<semaphore_mem>>
      %dma_start3A_756 = tpu.memref_slice %arg4[%mul3A_2] : memref<8192xi32, #tpu.memory_space<hbm>> -> memref<256xi32, #tpu.memory_space<hbm>>
      %dma_start3A_757 = tpu.memref_slice %arg4[%mul3A_2] : memref<8192xi32, #tpu.memory_space<hbm>> -> memref<256xi32, #tpu.memory_space<hbm>>
      tpu.enqueue_dma source(%dma_start3A_757 : memref<256xi32, #tpu.memory_space<hbm>>) target(%arg7 : memref<256xi32, #tpu.memory_space<vmem>>) target_semaphore(%run_scoped3A : memref<!tpu.dma_semaphore, #tpu.memory_space<semaphore_mem>>)
      %dma_wait3A_758 = tpu.memref_slice %arg4[%mul3A_2] : memref<8192xi32, #tpu.memory_space<hbm>> -> memref<256xi32, #tpu.memory_space<hbm>>
      %dma_wait3A_759 = tpu.memref_slice %arg4[%mul3A_2] : memref<8192xi32, #tpu.memory_space<hbm>> -> memref<256xi32, #tpu.memory_space<hbm>>
      tpu.wait_dma2 semaphore(%run_scoped3A : memref<!tpu.dma_semaphore, #tpu.memory_space<semaphore_mem>>) src(%dma_wait3A_759 : memref<256xi32, #tpu.memory_space<hbm>>) dst(%arg7 : memref<256xi32, #tpu.memory_space<vmem>>)
      tpu.yield
    }) : () -> ()
    %dma_start3A = arith.constant 0 : i32
    %dma_start3A_22 = arith.constant 0 : i32
    %dma_start3A_23 = tpu.memref_slice %arg8[%dma_start3A, %dma_start3A_22] : memref<16x1536xf32, #tpu.memory_space<vmem>> -> memref<16x768xf32, #tpu.memory_space<vmem>>
    %dma_start3A_24 = arith.constant 0 : i32
    %dma_start3A_25 = tpu.memref_slice %arg6[%dma_start3A_24] : memref<256xi32, #tpu.memory_space<vmem>> -> memref<16xi32, #tpu.memory_space<vmem>>
    %dma_start3A_26 = arith.constant 0 : i32
    %dma_start3A_27 = arith.constant 0 : i32
    %dma_start3A_28 = tpu.memref_slice %arg2[%dma_start3A_26, %dma_start3A_27] : memref<16384x768xf32, #tpu.memory_space<hbm>> -> memref<16384x768xf32, #tpu.memory_space<hbm>>
    tpu.enqueue_indirect_dma source(%dma_start3A_28 : memref<16384x768xf32, #tpu.memory_space<hbm>>) target(%dma_start3A_23 : memref<16x768xf32, #tpu.memory_space<vmem>>) offsets(%dma_start3A_25 : memref<16xi32, #tpu.memory_space<vmem>>) semaphore(%arg12 : memref<!tpu.dma_semaphore, #tpu.memory_space<semaphore_mem>>)
    %dma_start3A_29 = arith.constant 0 : i32
    %dma_start3A_30 = arith.constant 768 : i32
    %dma_start3A_31 = tpu.memref_slice %arg8[%dma_start3A_29, %dma_start3A_30] : memref<16x1536xf32, #tpu.memory_space<vmem>> -> memref<16x768xf32, #tpu.memory_space<vmem>>
    %dma_start3A_32 = arith.constant 0 : i32
    %dma_start3A_33 = tpu.memref_slice %arg7[%dma_start3A_32] : memref<256xi32, #tpu.memory_space<vmem>> -> memref<16xi32, #tpu.memory_space<vmem>>
    %dma_start3A_34 = arith.constant 0 : i32
    %dma_start3A_35 = arith.constant 0 : i32
    %dma_start3A_36 = tpu.memref_slice %arg2[%dma_start3A_34, %dma_start3A_35] : memref<16384x768xf32, #tpu.memory_space<hbm>> -> memref<16384x768xf32, #tpu.memory_space<hbm>>
    tpu.enqueue_indirect_dma source(%dma_start3A_36 : memref<16384x768xf32, #tpu.memory_space<hbm>>) target(%dma_start3A_31 : memref<16x768xf32, #tpu.memory_space<vmem>>) offsets(%dma_start3A_33 : memref<16xi32, #tpu.memory_space<vmem>>) semaphore(%arg12 : memref<!tpu.dma_semaphore, #tpu.memory_space<semaphore_mem>>)
    %dma_start3A_37 = arith.constant 0 : i32
    %dma_start3A_38 = arith.constant 0 : i32
    %dma_start3A_39 = tpu.memref_slice %arg9[%dma_start3A_37, %dma_start3A_38] : memref<16x1536xf32, #tpu.memory_space<vmem>> -> memref<16x768xf32, #tpu.memory_space<vmem>>
    %dma_start3A_40 = arith.constant 16 : i32
    %dma_start3A_41 = tpu.memref_slice %arg6[%dma_start3A_40] : memref<256xi32, #tpu.memory_space<vmem>> -> memref<16xi32, #tpu.memory_space<vmem>>
    %dma_start3A_42 = arith.constant 0 : i32
    %dma_start3A_43 = arith.constant 0 : i32
    %dma_start3A_44 = tpu.memref_slice %arg2[%dma_start3A_42, %dma_start3A_43] : memref<16384x768xf32, #tpu.memory_space<hbm>> -> memref<16384x768xf32, #tpu.memory_space<hbm>>
    tpu.enqueue_indirect_dma source(%dma_start3A_44 : memref<16384x768xf32, #tpu.memory_space<hbm>>) target(%dma_start3A_39 : memref<16x768xf32, #tpu.memory_space<vmem>>) offsets(%dma_start3A_41 : memref<16xi32, #tpu.memory_space<vmem>>) semaphore(%arg13 : memref<!tpu.dma_semaphore, #tpu.memory_space<semaphore_mem>>)
    %dma_start3A_45 = arith.constant 0 : i32
    %dma_start3A_46 = arith.constant 768 : i32
    %dma_start3A_47 = tpu.memref_slice %arg9[%dma_start3A_45, %dma_start3A_46] : memref<16x1536xf32, #tpu.memory_space<vmem>> -> memref<16x768xf32, #tpu.memory_space<vmem>>
    %dma_start3A_48 = arith.constant 16 : i32
    %dma_start3A_49 = tpu.memref_slice %arg7[%dma_start3A_48] : memref<256xi32, #tpu.memory_space<vmem>> -> memref<16xi32, #tpu.memory_space<vmem>>
    %dma_start3A_50 = arith.constant 0 : i32
    %dma_start3A_51 = arith.constant 0 : i32
    %dma_start3A_52 = tpu.memref_slice %arg2[%dma_start3A_50, %dma_start3A_51] : memref<16384x768xf32, #tpu.memory_space<hbm>> -> memref<16384x768xf32, #tpu.memory_space<hbm>>
    tpu.enqueue_indirect_dma source(%dma_start3A_52 : memref<16384x768xf32, #tpu.memory_space<hbm>>) target(%dma_start3A_47 : memref<16x768xf32, #tpu.memory_space<vmem>>) offsets(%dma_start3A_49 : memref<16xi32, #tpu.memory_space<vmem>>) semaphore(%arg13 : memref<!tpu.dma_semaphore, #tpu.memory_space<semaphore_mem>>)
    %dma_start3A_53 = arith.constant 0 : i32
    %dma_start3A_54 = arith.constant 0 : i32
    %dma_start3A_55 = tpu.memref_slice %arg10[%dma_start3A_53, %dma_start3A_54] : memref<16x1536xf32, #tpu.memory_space<vmem>> -> memref<16x768xf32, #tpu.memory_space<vmem>>
    %dma_start3A_56 = arith.constant 32 : i32
    %dma_start3A_57 = tpu.memref_slice %arg6[%dma_start3A_56] : memref<256xi32, #tpu.memory_space<vmem>> -> memref<16xi32, #tpu.memory_space<vmem>>
    %dma_start3A_58 = arith.constant 0 : i32
    %dma_start3A_59 = arith.constant 0 : i32
    %dma_start3A_60 = tpu.memref_slice %arg2[%dma_start3A_58, %dma_start3A_59] : memref<16384x768xf32, #tpu.memory_space<hbm>> -> memref<16384x768xf32, #tpu.memory_space<hbm>>
    tpu.enqueue_indirect_dma source(%dma_start3A_60 : memref<16384x768xf32, #tpu.memory_space<hbm>>) target(%dma_start3A_55 : memref<16x768xf32, #tpu.memory_space<vmem>>) offsets(%dma_start3A_57 : memref<16xi32, #tpu.memory_space<vmem>>) semaphore(%arg14 : memref<!tpu.dma_semaphore, #tpu.memory_space<semaphore_mem>>)
    %dma_start3A_61 = arith.constant 0 : i32
    %dma_start3A_62 = arith.constant 768 : i32
    %dma_start3A_63 = tpu.memref_slice %arg10[%dma_start3A_61, %dma_start3A_62] : memref<16x1536xf32, #tpu.memory_space<vmem>> -> memref<16x768xf32, #tpu.memory_space<vmem>>
    %dma_start3A_64 = arith.constant 32 : i32
    %dma_start3A_65 = tpu.memref_slice %arg7[%dma_start3A_64] : memref<256xi32, #tpu.memory_space<vmem>> -> memref<16xi32, #tpu.memory_space<vmem>>
    %dma_start3A_66 = arith.constant 0 : i32
    %dma_start3A_67 = arith.constant 0 : i32
    %dma_start3A_68 = tpu.memref_slice %arg2[%dma_start3A_66, %dma_start3A_67] : memref<16384x768xf32, #tpu.memory_space<hbm>> -> memref<16384x768xf32, #tpu.memory_space<hbm>>
    tpu.enqueue_indirect_dma source(%dma_start3A_68 : memref<16384x768xf32, #tpu.memory_space<hbm>>) target(%dma_start3A_63 : memref<16x768xf32, #tpu.memory_space<vmem>>) offsets(%dma_start3A_65 : memref<16xi32, #tpu.memory_space<vmem>>) semaphore(%arg14 : memref<!tpu.dma_semaphore, #tpu.memory_space<semaphore_mem>>)
    %dma_start3A_69 = arith.constant 0 : i32
    %dma_start3A_70 = arith.constant 0 : i32
    %dma_start3A_71 = tpu.memref_slice %arg11[%dma_start3A_69, %dma_start3A_70] : memref<16x1536xf32, #tpu.memory_space<vmem>> -> memref<16x768xf32, #tpu.memory_space<vmem>>
    %dma_start3A_72 = arith.constant 48 : i32
    %dma_start3A_73 = tpu.memref_slice %arg6[%dma_start3A_72] : memref<256xi32, #tpu.memory_space<vmem>> -> memref<16xi32, #tpu.memory_space<vmem>>
    %dma_start3A_74 = arith.constant 0 : i32
    %dma_start3A_75 = arith.constant 0 : i32
    %dma_start3A_76 = tpu.memref_slice %arg2[%dma_start3A_74, %dma_start3A_75] : memref<16384x768xf32, #tpu.memory_space<hbm>> -> memref<16384x768xf32, #tpu.memory_space<hbm>>
    tpu.enqueue_indirect_dma source(%dma_start3A_76 : memref<16384x768xf32, #tpu.memory_space<hbm>>) target(%dma_start3A_71 : memref<16x768xf32, #tpu.memory_space<vmem>>) offsets(%dma_start3A_73 : memref<16xi32, #tpu.memory_space<vmem>>) semaphore(%arg15 : memref<!tpu.dma_semaphore, #tpu.memory_space<semaphore_mem>>)
    %dma_start3A_77 = arith.constant 0 : i32
    %dma_start3A_78 = arith.constant 768 : i32
    %dma_start3A_79 = tpu.memref_slice %arg11[%dma_start3A_77, %dma_start3A_78] : memref<16x1536xf32, #tpu.memory_space<vmem>> -> memref<16x768xf32, #tpu.memory_space<vmem>>
    %dma_start3A_80 = arith.constant 48 : i32
    %dma_start3A_81 = tpu.memref_slice %arg7[%dma_start3A_80] : memref<256xi32, #tpu.memory_space<vmem>> -> memref<16xi32, #tpu.memory_space<vmem>>
    %dma_start3A_82 = arith.constant 0 : i32
    %dma_start3A_83 = arith.constant 0 : i32
    %dma_start3A_84 = tpu.memref_slice %arg2[%dma_start3A_82, %dma_start3A_83] : memref<16384x768xf32, #tpu.memory_space<hbm>> -> memref<16384x768xf32, #tpu.memory_space<hbm>>
    tpu.enqueue_indirect_dma source(%dma_start3A_84 : memref<16384x768xf32, #tpu.memory_space<hbm>>) target(%dma_start3A_79 : memref<16x768xf32, #tpu.memory_space<vmem>>) offsets(%dma_start3A_81 : memref<16xi32, #tpu.memory_space<vmem>>) semaphore(%arg15 : memref<!tpu.dma_semaphore, #tpu.memory_space<semaphore_mem>>)
    %dma_wait3A = arith.constant 0 : i32
    %dma_wait3A_85 = arith.constant 0 : i32
    %dma_wait3A_86 = tpu.memref_slice %arg8[%dma_wait3A, %dma_wait3A_85] : memref<16x1536xf32, #tpu.memory_space<vmem>> -> memref<16x768xf32, #tpu.memory_space<vmem>>
    %dma_wait3A_87 = arith.constant 0 : i32
    %dma_wait3A_88 = tpu.memref_slice %arg6[%dma_wait3A_87] : memref<256xi32, #tpu.memory_space<vmem>> -> memref<16xi32, #tpu.memory_space<vmem>>
    %dma_wait3A_89 = arith.constant 0 : i32
    %dma_wait3A_90 = arith.constant 0 : i32
    %dma_wait3A_91 = tpu.memref_slice %arg2[%dma_wait3A_89, %dma_wait3A_90] : memref<16384x768xf32, #tpu.memory_space<hbm>> -> memref<16384x768xf32, #tpu.memory_space<hbm>>
    tpu.wait_indirect_dma semaphore(%arg12 : memref<!tpu.dma_semaphore, #tpu.memory_space<semaphore_mem>>) src(%dma_wait3A_91 : memref<16384x768xf32, #tpu.memory_space<hbm>>) dst(%dma_wait3A_86 : memref<16x768xf32, #tpu.memory_space<vmem>>)
    %dma_wait3A_92 = arith.constant 0 : i32
    %dma_wait3A_93 = arith.constant 768 : i32
    %dma_wait3A_94 = tpu.memref_slice %arg8[%dma_wait3A_92, %dma_wait3A_93] : memref<16x1536xf32, #tpu.memory_space<vmem>> -> memref<16x768xf32, #tpu.memory_space<vmem>>
    %dma_wait3A_95 = arith.constant 0 : i32
    %dma_wait3A_96 = tpu.memref_slice %arg7[%dma_wait3A_95] : memref<256xi32, #tpu.memory_space<vmem>> -> memref<16xi32, #tpu.memory_space<vmem>>
    %dma_wait3A_97 = arith.constant 0 : i32
    %dma_wait3A_98 = arith.constant 0 : i32
    %dma_wait3A_99 = tpu.memref_slice %arg2[%dma_wait3A_97, %dma_wait3A_98] : memref<16384x768xf32, #tpu.memory_space<hbm>> -> memref<16384x768xf32, #tpu.memory_space<hbm>>
    tpu.wait_indirect_dma semaphore(%arg12 : memref<!tpu.dma_semaphore, #tpu.memory_space<semaphore_mem>>) src(%dma_wait3A_99 : memref<16384x768xf32, #tpu.memory_space<hbm>>) dst(%dma_wait3A_94 : memref<16x768xf32, #tpu.memory_space<vmem>>)
    %add3A_100 = arith.constant 0 : i32
    %add3A_101 = arith.addi %sub3A_21, %add3A_100 : i32
    %dma_start3A_102 = arith.constant 0 : i32
    %dma_start3A_103 = tpu.memref_slice %arg5[%select_n3A, %add3A_101, %dma_start3A_102] : memref<4x2048x1536xf32, #tpu.memory_space<hbm>> -> memref<1x16x1536xf32, #tpu.memory_space<hbm>>
    %dma_start3A_104 = tpu.memref_squeeze %dma_start3A_103 : memref<1x16x1536xf32, #tpu.memory_space<hbm>> -> memref<16x1536xf32, #tpu.memory_space<hbm>>
    %dma_start3A_105 = arith.constant 0 : i32
    %dma_start3A_106 = tpu.memref_slice %arg5[%select_n3A, %add3A_101, %dma_start3A_105] : memref<4x2048x1536xf32, #tpu.memory_space<hbm>> -> memref<1x16x1536xf32, #tpu.memory_space<hbm>>
    %dma_start3A_107 = tpu.memref_squeeze %dma_start3A_106 : memref<1x16x1536xf32, #tpu.memory_space<hbm>> -> memref<16x1536xf32, #tpu.memory_space<hbm>>
    tpu.enqueue_dma source(%arg8 : memref<16x1536xf32, #tpu.memory_space<vmem>>) target(%dma_start3A_107 : memref<16x1536xf32, #tpu.memory_space<hbm>>) target_semaphore(%arg16 : memref<!tpu.dma_semaphore, #tpu.memory_space<semaphore_mem>>)
    %dma_wait3A_108 = arith.constant 0 : i32
    %dma_wait3A_109 = tpu.memref_slice %arg5[%select_n3A, %add3A_101, %dma_wait3A_108] : memref<4x2048x1536xf32, #tpu.memory_space<hbm>> -> memref<1x16x1536xf32, #tpu.memory_space<hbm>>
    %dma_wait3A_110 = tpu.memref_squeeze %dma_wait3A_109 : memref<1x16x1536xf32, #tpu.memory_space<hbm>> -> memref<16x1536xf32, #tpu.memory_space<hbm>>
    %dma_wait3A_111 = arith.constant 0 : i32
    %dma_wait3A_112 = tpu.memref_slice %arg5[%select_n3A, %add3A_101, %dma_wait3A_111] : memref<4x2048x1536xf32, #tpu.memory_space<hbm>> -> memref<1x16x1536xf32, #tpu.memory_space<hbm>>
    %dma_wait3A_113 = tpu.memref_squeeze %dma_wait3A_112 : memref<1x16x1536xf32, #tpu.memory_space<hbm>> -> memref<16x1536xf32, #tpu.memory_space<hbm>>
    tpu.wait_dma2 semaphore(%arg16 : memref<!tpu.dma_semaphore, #tpu.memory_space<semaphore_mem>>) src(%arg8 : memref<16x1536xf32, #tpu.memory_space<vmem>>) dst(%dma_wait3A_113 : memref<16x1536xf32, #tpu.memory_space<hbm>>)
    %dma_start3A_114 = arith.constant 0 : i32
    %dma_start3A_115 = arith.constant 0 : i32
    %dma_start3A_116 = tpu.memref_slice %arg8[%dma_start3A_114, %dma_start3A_115] : memref<16x1536xf32, #tpu.memory_space<vmem>> -> memref<16x768xf32, #tpu.memory_space<vmem>>
    %dma_start3A_117 = arith.constant 64 : i32
    %dma_start3A_118 = tpu.memref_slice %arg6[%dma_start3A_117] : memref<256xi32, #tpu.memory_space<vmem>> -> memref<16xi32, #tpu.memory_space<vmem>>
    %dma_start3A_119 = arith.constant 0 : i32
    %dma_start3A_120 = arith.constant 0 : i32
    %dma_start3A_121 = tpu.memref_slice %arg2[%dma_start3A_119, %dma_start3A_120] : memref<16384x768xf32, #tpu.memory_space<hbm>> -> memref<16384x768xf32, #tpu.memory_space<hbm>>
    tpu.enqueue_indirect_dma source(%dma_start3A_121 : memref<16384x768xf32, #tpu.memory_space<hbm>>) target(%dma_start3A_116 : memref<16x768xf32, #tpu.memory_space<vmem>>) offsets(%dma_start3A_118 : memref<16xi32, #tpu.memory_space<vmem>>) semaphore(%arg12 : memref<!tpu.dma_semaphore, #tpu.memory_space<semaphore_mem>>)
    %dma_start3A_122 = arith.constant 0 : i32
    %dma_start3A_123 = arith.constant 768 : i32
    %dma_start3A_124 = tpu.memref_slice %arg8[%dma_start3A_122, %dma_start3A_123] : memref<16x1536xf32, #tpu.memory_space<vmem>> -> memref<16x768xf32, #tpu.memory_space<vmem>>
    %dma_start3A_125 = arith.constant 64 : i32
    %dma_start3A_126 = tpu.memref_slice %arg7[%dma_start3A_125] : memref<256xi32, #tpu.memory_space<vmem>> -> memref<16xi32, #tpu.memory_space<vmem>>
    %dma_start3A_127 = arith.constant 0 : i32
    %dma_start3A_128 = arith.constant 0 : i32
    %dma_start3A_129 = tpu.memref_slice %arg2[%dma_start3A_127, %dma_start3A_128] : memref<16384x768xf32, #tpu.memory_space<hbm>> -> memref<16384x768xf32, #tpu.memory_space<hbm>>
    tpu.enqueue_indirect_dma source(%dma_start3A_129 : memref<16384x768xf32, #tpu.memory_space<hbm>>) target(%dma_start3A_124 : memref<16x768xf32, #tpu.memory_space<vmem>>) offsets(%dma_start3A_126 : memref<16xi32, #tpu.memory_space<vmem>>) semaphore(%arg12 : memref<!tpu.dma_semaphore, #tpu.memory_space<semaphore_mem>>)
    %dma_wait3A_130 = arith.constant 0 : i32
    %dma_wait3A_131 = arith.constant 0 : i32
    %dma_wait3A_132 = tpu.memref_slice %arg9[%dma_wait3A_130, %dma_wait3A_131] : memref<16x1536xf32, #tpu.memory_space<vmem>> -> memref<16x768xf32, #tpu.memory_space<vmem>>
    %dma_wait3A_133 = arith.constant 16 : i32
    %dma_wait3A_134 = tpu.memref_slice %arg6[%dma_wait3A_133] : memref<256xi32, #tpu.memory_space<vmem>> -> memref<16xi32, #tpu.memory_space<vmem>>
    %dma_wait3A_135 = arith.constant 0 : i32
    %dma_wait3A_136 = arith.constant 0 : i32
    %dma_wait3A_137 = tpu.memref_slice %arg2[%dma_wait3A_135, %dma_wait3A_136] : memref<16384x768xf32, #tpu.memory_space<hbm>> -> memref<16384x768xf32, #tpu.memory_space<hbm>>
    tpu.wait_indirect_dma semaphore(%arg13 : memref<!tpu.dma_semaphore, #tpu.memory_space<semaphore_mem>>) src(%dma_wait3A_137 : memref<16384x768xf32, #tpu.memory_space<hbm>>) dst(%dma_wait3A_132 : memref<16x768xf32, #tpu.memory_space<vmem>>)
    %dma_wait3A_138 = arith.constant 0 : i32
    %dma_wait3A_139 = arith.constant 768 : i32
    %dma_wait3A_140 = tpu.memref_slice %arg9[%dma_wait3A_138, %dma_wait3A_139] : memref<16x1536xf32, #tpu.memory_space<vmem>> -> memref<16x768xf32, #tpu.memory_space<vmem>>
    %dma_wait3A_141 = arith.constant 16 : i32
    %dma_wait3A_142 = tpu.memref_slice %arg7[%dma_wait3A_141] : memref<256xi32, #tpu.memory_space<vmem>> -> memref<16xi32, #tpu.memory_space<vmem>>
    %dma_wait3A_143 = arith.constant 0 : i32
    %dma_wait3A_144 = arith.constant 0 : i32
    %dma_wait3A_145 = tpu.memref_slice %arg2[%dma_wait3A_143, %dma_wait3A_144] : memref<16384x768xf32, #tpu.memory_space<hbm>> -> memref<16384x768xf32, #tpu.memory_space<hbm>>
    tpu.wait_indirect_dma semaphore(%arg13 : memref<!tpu.dma_semaphore, #tpu.memory_space<semaphore_mem>>) src(%dma_wait3A_145 : memref<16384x768xf32, #tpu.memory_space<hbm>>) dst(%dma_wait3A_140 : memref<16x768xf32, #tpu.memory_space<vmem>>)
    %add3A_146 = arith.constant 16 : i32
    %add3A_147 = arith.addi %sub3A_21, %add3A_146 : i32
    %dma_start3A_148 = arith.constant 0 : i32
    %dma_start3A_149 = tpu.memref_slice %arg5[%select_n3A, %add3A_147, %dma_start3A_148] : memref<4x2048x1536xf32, #tpu.memory_space<hbm>> -> memref<1x16x1536xf32, #tpu.memory_space<hbm>>
    %dma_start3A_150 = tpu.memref_squeeze %dma_start3A_149 : memref<1x16x1536xf32, #tpu.memory_space<hbm>> -> memref<16x1536xf32, #tpu.memory_space<hbm>>
    %dma_start3A_151 = arith.constant 0 : i32
    %dma_start3A_152 = tpu.memref_slice %arg5[%select_n3A, %add3A_147, %dma_start3A_151] : memref<4x2048x1536xf32, #tpu.memory_space<hbm>> -> memref<1x16x1536xf32, #tpu.memory_space<hbm>>
    %dma_start3A_153 = tpu.memref_squeeze %dma_start3A_152 : memref<1x16x1536xf32, #tpu.memory_space<hbm>> -> memref<16x1536xf32, #tpu.memory_space<hbm>>
    tpu.enqueue_dma source(%arg9 : memref<16x1536xf32, #tpu.memory_space<vmem>>) target(%dma_start3A_153 : memref<16x1536xf32, #tpu.memory_space<hbm>>) target_semaphore(%arg17 : memref<!tpu.dma_semaphore, #tpu.memory_space<semaphore_mem>>)
    %dma_wait3A_154 = arith.constant 0 : i32
    %dma_wait3A_155 = tpu.memref_slice %arg5[%select_n3A, %add3A_147, %dma_wait3A_154] : memref<4x2048x1536xf32, #tpu.memory_space<hbm>> -> memref<1x16x1536xf32, #tpu.memory_space<hbm>>
    %dma_wait3A_156 = tpu.memref_squeeze %dma_wait3A_155 : memref<1x16x1536xf32, #tpu.memory_space<hbm>> -> memref<16x1536xf32, #tpu.memory_space<hbm>>
    %dma_wait3A_157 = arith.constant 0 : i32
    %dma_wait3A_158 = tpu.memref_slice %arg5[%select_n3A, %add3A_147, %dma_wait3A_157] : memref<4x2048x1536xf32, #tpu.memory_space<hbm>> -> memref<1x16x1536xf32, #tpu.memory_space<hbm>>
    %dma_wait3A_159 = tpu.memref_squeeze %dma_wait3A_158 : memref<1x16x1536xf32, #tpu.memory_space<hbm>> -> memref<16x1536xf32, #tpu.memory_space<hbm>>
    tpu.wait_dma2 semaphore(%arg17 : memref<!tpu.dma_semaphore, #tpu.memory_space<semaphore_mem>>) src(%arg9 : memref<16x1536xf32, #tpu.memory_space<vmem>>) dst(%dma_wait3A_159 : memref<16x1536xf32, #tpu.memory_space<hbm>>)
    %dma_start3A_160 = arith.constant 0 : i32
    %dma_start3A_161 = arith.constant 0 : i32
    %dma_start3A_162 = tpu.memref_slice %arg9[%dma_start3A_160, %dma_start3A_161] : memref<16x1536xf32, #tpu.memory_space<vmem>> -> memref<16x768xf32, #tpu.memory_space<vmem>>
    %dma_start3A_163 = arith.constant 80 : i32
    %dma_start3A_164 = tpu.memref_slice %arg6[%dma_start3A_163] : memref<256xi32, #tpu.memory_space<vmem>> -> memref<16xi32, #tpu.memory_space<vmem>>
    %dma_start3A_165 = arith.constant 0 : i32
    %dma_start3A_166 = arith.constant 0 : i32
    %dma_start3A_167 = tpu.memref_slice %arg2[%dma_start3A_165, %dma_start3A_166] : memref<16384x768xf32, #tpu.memory_space<hbm>> -> memref<16384x768xf32, #tpu.memory_space<hbm>>
    tpu.enqueue_indirect_dma source(%dma_start3A_167 : memref<16384x768xf32, #tpu.memory_space<hbm>>) target(%dma_start3A_162 : memref<16x768xf32, #tpu.memory_space<vmem>>) offsets(%dma_start3A_164 : memref<16xi32, #tpu.memory_space<vmem>>) semaphore(%arg13 : memref<!tpu.dma_semaphore, #tpu.memory_space<semaphore_mem>>)
    %dma_start3A_168 = arith.constant 0 : i32
    %dma_start3A_169 = arith.constant 768 : i32
    %dma_start3A_170 = tpu.memref_slice %arg9[%dma_start3A_168, %dma_start3A_169] : memref<16x1536xf32, #tpu.memory_space<vmem>> -> memref<16x768xf32, #tpu.memory_space<vmem>>
    %dma_start3A_171 = arith.constant 80 : i32
    %dma_start3A_172 = tpu.memref_slice %arg7[%dma_start3A_171] : memref<256xi32, #tpu.memory_space<vmem>> -> memref<16xi32, #tpu.memory_space<vmem>>
    %dma_start3A_173 = arith.constant 0 : i32
    %dma_start3A_174 = arith.constant 0 : i32
    %dma_start3A_175 = tpu.memref_slice %arg2[%dma_start3A_173, %dma_start3A_174] : memref<16384x768xf32, #tpu.memory_space<hbm>> -> memref<16384x768xf32, #tpu.memory_space<hbm>>
    tpu.enqueue_indirect_dma source(%dma_start3A_175 : memref<16384x768xf32, #tpu.memory_space<hbm>>) target(%dma_start3A_170 : memref<16x768xf32, #tpu.memory_space<vmem>>) offsets(%dma_start3A_172 : memref<16xi32, #tpu.memory_space<vmem>>) semaphore(%arg13 : memref<!tpu.dma_semaphore, #tpu.memory_space<semaphore_mem>>)
    %dma_wait3A_176 = arith.constant 0 : i32
    %dma_wait3A_177 = arith.constant 0 : i32
    %dma_wait3A_178 = tpu.memref_slice %arg10[%dma_wait3A_176, %dma_wait3A_177] : memref<16x1536xf32, #tpu.memory_space<vmem>> -> memref<16x768xf32, #tpu.memory_space<vmem>>
    %dma_wait3A_179 = arith.constant 32 : i32
    %dma_wait3A_180 = tpu.memref_slice %arg6[%dma_wait3A_179] : memref<256xi32, #tpu.memory_space<vmem>> -> memref<16xi32, #tpu.memory_space<vmem>>
    %dma_wait3A_181 = arith.constant 0 : i32
    %dma_wait3A_182 = arith.constant 0 : i32
    %dma_wait3A_183 = tpu.memref_slice %arg2[%dma_wait3A_181, %dma_wait3A_182] : memref<16384x768xf32, #tpu.memory_space<hbm>> -> memref<16384x768xf32, #tpu.memory_space<hbm>>
    tpu.wait_indirect_dma semaphore(%arg14 : memref<!tpu.dma_semaphore, #tpu.memory_space<semaphore_mem>>) src(%dma_wait3A_183 : memref<16384x768xf32, #tpu.memory_space<hbm>>) dst(%dma_wait3A_178 : memref<16x768xf32, #tpu.memory_space<vmem>>)
    %dma_wait3A_184 = arith.constant 0 : i32
    %dma_wait3A_185 = arith.constant 768 : i32
    %dma_wait3A_186 = tpu.memref_slice %arg10[%dma_wait3A_184, %dma_wait3A_185] : memref<16x1536xf32, #tpu.memory_space<vmem>> -> memref<16x768xf32, #tpu.memory_space<vmem>>
    %dma_wait3A_187 = arith.constant 32 : i32
    %dma_wait3A_188 = tpu.memref_slice %arg7[%dma_wait3A_187] : memref<256xi32, #tpu.memory_space<vmem>> -> memref<16xi32, #tpu.memory_space<vmem>>
    %dma_wait3A_189 = arith.constant 0 : i32
    %dma_wait3A_190 = arith.constant 0 : i32
    %dma_wait3A_191 = tpu.memref_slice %arg2[%dma_wait3A_189, %dma_wait3A_190] : memref<16384x768xf32, #tpu.memory_space<hbm>> -> memref<16384x768xf32, #tpu.memory_space<hbm>>
    tpu.wait_indirect_dma semaphore(%arg14 : memref<!tpu.dma_semaphore, #tpu.memory_space<semaphore_mem>>) src(%dma_wait3A_191 : memref<16384x768xf32, #tpu.memory_space<hbm>>) dst(%dma_wait3A_186 : memref<16x768xf32, #tpu.memory_space<vmem>>)
    %add3A_192 = arith.constant 32 : i32
    %add3A_193 = arith.addi %sub3A_21, %add3A_192 : i32
    %dma_start3A_194 = arith.constant 0 : i32
    %dma_start3A_195 = tpu.memref_slice %arg5[%select_n3A, %add3A_193, %dma_start3A_194] : memref<4x2048x1536xf32, #tpu.memory_space<hbm>> -> memref<1x16x1536xf32, #tpu.memory_space<hbm>>
    %dma_start3A_196 = tpu.memref_squeeze %dma_start3A_195 : memref<1x16x1536xf32, #tpu.memory_space<hbm>> -> memref<16x1536xf32, #tpu.memory_space<hbm>>
    %dma_start3A_197 = arith.constant 0 : i32
    %dma_start3A_198 = tpu.memref_slice %arg5[%select_n3A, %add3A_193, %dma_start3A_197] : memref<4x2048x1536xf32, #tpu.memory_space<hbm>> -> memref<1x16x1536xf32, #tpu.memory_space<hbm>>
    %dma_start3A_199 = tpu.memref_squeeze %dma_start3A_198 : memref<1x16x1536xf32, #tpu.memory_space<hbm>> -> memref<16x1536xf32, #tpu.memory_space<hbm>>
    tpu.enqueue_dma source(%arg10 : memref<16x1536xf32, #tpu.memory_space<vmem>>) target(%dma_start3A_199 : memref<16x1536xf32, #tpu.memory_space<hbm>>) target_semaphore(%arg18 : memref<!tpu.dma_semaphore, #tpu.memory_space<semaphore_mem>>)
    %dma_wait3A_200 = arith.constant 0 : i32
    %dma_wait3A_201 = tpu.memref_slice %arg5[%select_n3A, %add3A_193, %dma_wait3A_200] : memref<4x2048x1536xf32, #tpu.memory_space<hbm>> -> memref<1x16x1536xf32, #tpu.memory_space<hbm>>
    %dma_wait3A_202 = tpu.memref_squeeze %dma_wait3A_201 : memref<1x16x1536xf32, #tpu.memory_space<hbm>> -> memref<16x1536xf32, #tpu.memory_space<hbm>>
    %dma_wait3A_203 = arith.constant 0 : i32
    %dma_wait3A_204 = tpu.memref_slice %arg5[%select_n3A, %add3A_193, %dma_wait3A_203] : memref<4x2048x1536xf32, #tpu.memory_space<hbm>> -> memref<1x16x1536xf32, #tpu.memory_space<hbm>>
    %dma_wait3A_205 = tpu.memref_squeeze %dma_wait3A_204 : memref<1x16x1536xf32, #tpu.memory_space<hbm>> -> memref<16x1536xf32, #tpu.memory_space<hbm>>
    tpu.wait_dma2 semaphore(%arg18 : memref<!tpu.dma_semaphore, #tpu.memory_space<semaphore_mem>>) src(%arg10 : memref<16x1536xf32, #tpu.memory_space<vmem>>) dst(%dma_wait3A_205 : memref<16x1536xf32, #tpu.memory_space<hbm>>)
    %dma_start3A_206 = arith.constant 0 : i32
    %dma_start3A_207 = arith.constant 0 : i32
    %dma_start3A_208 = tpu.memref_slice %arg10[%dma_start3A_206, %dma_start3A_207] : memref<16x1536xf32, #tpu.memory_space<vmem>> -> memref<16x768xf32, #tpu.memory_space<vmem>>
    %dma_start3A_209 = arith.constant 96 : i32
    %dma_start3A_210 = tpu.memref_slice %arg6[%dma_start3A_209] : memref<256xi32, #tpu.memory_space<vmem>> -> memref<16xi32, #tpu.memory_space<vmem>>
    %dma_start3A_211 = arith.constant 0 : i32
    %dma_start3A_212 = arith.constant 0 : i32
    %dma_start3A_213 = tpu.memref_slice %arg2[%dma_start3A_211, %dma_start3A_212] : memref<16384x768xf32, #tpu.memory_space<hbm>> -> memref<16384x768xf32, #tpu.memory_space<hbm>>
    tpu.enqueue_indirect_dma source(%dma_start3A_213 : memref<16384x768xf32, #tpu.memory_space<hbm>>) target(%dma_start3A_208 : memref<16x768xf32, #tpu.memory_space<vmem>>) offsets(%dma_start3A_210 : memref<16xi32, #tpu.memory_space<vmem>>) semaphore(%arg14 : memref<!tpu.dma_semaphore, #tpu.memory_space<semaphore_mem>>)
    %dma_start3A_214 = arith.constant 0 : i32
    %dma_start3A_215 = arith.constant 768 : i32
    %dma_start3A_216 = tpu.memref_slice %arg10[%dma_start3A_214, %dma_start3A_215] : memref<16x1536xf32, #tpu.memory_space<vmem>> -> memref<16x768xf32, #tpu.memory_space<vmem>>
    %dma_start3A_217 = arith.constant 96 : i32
    %dma_start3A_218 = tpu.memref_slice %arg7[%dma_start3A_217] : memref<256xi32, #tpu.memory_space<vmem>> -> memref<16xi32, #tpu.memory_space<vmem>>
    %dma_start3A_219 = arith.constant 0 : i32
    %dma_start3A_220 = arith.constant 0 : i32
    %dma_start3A_221 = tpu.memref_slice %arg2[%dma_start3A_219, %dma_start3A_220] : memref<16384x768xf32, #tpu.memory_space<hbm>> -> memref<16384x768xf32, #tpu.memory_space<hbm>>
    tpu.enqueue_indirect_dma source(%dma_start3A_221 : memref<16384x768xf32, #tpu.memory_space<hbm>>) target(%dma_start3A_216 : memref<16x768xf32, #tpu.memory_space<vmem>>) offsets(%dma_start3A_218 : memref<16xi32, #tpu.memory_space<vmem>>) semaphore(%arg14 : memref<!tpu.dma_semaphore, #tpu.memory_space<semaphore_mem>>)
    %dma_wait3A_222 = arith.constant 0 : i32
    %dma_wait3A_223 = arith.constant 0 : i32
    %dma_wait3A_224 = tpu.memref_slice %arg11[%dma_wait3A_222, %dma_wait3A_223] : memref<16x1536xf32, #tpu.memory_space<vmem>> -> memref<16x768xf32, #tpu.memory_space<vmem>>
    %dma_wait3A_225 = arith.constant 48 : i32
    %dma_wait3A_226 = tpu.memref_slice %arg6[%dma_wait3A_225] : memref<256xi32, #tpu.memory_space<vmem>> -> memref<16xi32, #tpu.memory_space<vmem>>
    %dma_wait3A_227 = arith.constant 0 : i32
    %dma_wait3A_228 = arith.constant 0 : i32
    %dma_wait3A_229 = tpu.memref_slice %arg2[%dma_wait3A_227, %dma_wait3A_228] : memref<16384x768xf32, #tpu.memory_space<hbm>> -> memref<16384x768xf32, #tpu.memory_space<hbm>>
    tpu.wait_indirect_dma semaphore(%arg15 : memref<!tpu.dma_semaphore, #tpu.memory_space<semaphore_mem>>) src(%dma_wait3A_229 : memref<16384x768xf32, #tpu.memory_space<hbm>>) dst(%dma_wait3A_224 : memref<16x768xf32, #tpu.memory_space<vmem>>)
    %dma_wait3A_230 = arith.constant 0 : i32
    %dma_wait3A_231 = arith.constant 768 : i32
    %dma_wait3A_232 = tpu.memref_slice %arg11[%dma_wait3A_230, %dma_wait3A_231] : memref<16x1536xf32, #tpu.memory_space<vmem>> -> memref<16x768xf32, #tpu.memory_space<vmem>>
    %dma_wait3A_233 = arith.constant 48 : i32
    %dma_wait3A_234 = tpu.memref_slice %arg7[%dma_wait3A_233] : memref<256xi32, #tpu.memory_space<vmem>> -> memref<16xi32, #tpu.memory_space<vmem>>
    %dma_wait3A_235 = arith.constant 0 : i32
    %dma_wait3A_236 = arith.constant 0 : i32
    %dma_wait3A_237 = tpu.memref_slice %arg2[%dma_wait3A_235, %dma_wait3A_236] : memref<16384x768xf32, #tpu.memory_space<hbm>> -> memref<16384x768xf32, #tpu.memory_space<hbm>>
    tpu.wait_indirect_dma semaphore(%arg15 : memref<!tpu.dma_semaphore, #tpu.memory_space<semaphore_mem>>) src(%dma_wait3A_237 : memref<16384x768xf32, #tpu.memory_space<hbm>>) dst(%dma_wait3A_232 : memref<16x768xf32, #tpu.memory_space<vmem>>)
    %add3A_238 = arith.constant 48 : i32
    %add3A_239 = arith.addi %sub3A_21, %add3A_238 : i32
    %dma_start3A_240 = arith.constant 0 : i32
    %dma_start3A_241 = tpu.memref_slice %arg5[%select_n3A, %add3A_239, %dma_start3A_240] : memref<4x2048x1536xf32, #tpu.memory_space<hbm>> -> memref<1x16x1536xf32, #tpu.memory_space<hbm>>
    %dma_start3A_242 = tpu.memref_squeeze %dma_start3A_241 : memref<1x16x1536xf32, #tpu.memory_space<hbm>> -> memref<16x1536xf32, #tpu.memory_space<hbm>>
    %dma_start3A_243 = arith.constant 0 : i32
    %dma_start3A_244 = tpu.memref_slice %arg5[%select_n3A, %add3A_239, %dma_start3A_243] : memref<4x2048x1536xf32, #tpu.memory_space<hbm>> -> memref<1x16x1536xf32, #tpu.memory_space<hbm>>
    %dma_start3A_245 = tpu.memref_squeeze %dma_start3A_244 : memref<1x16x1536xf32, #tpu.memory_space<hbm>> -> memref<16x1536xf32, #tpu.memory_space<hbm>>
    tpu.enqueue_dma source(%arg11 : memref<16x1536xf32, #tpu.memory_space<vmem>>) target(%dma_start3A_245 : memref<16x1536xf32, #tpu.memory_space<hbm>>) target_semaphore(%arg19 : memref<!tpu.dma_semaphore, #tpu.memory_space<semaphore_mem>>)
    %dma_wait3A_246 = arith.constant 0 : i32
    %dma_wait3A_247 = tpu.memref_slice %arg5[%select_n3A, %add3A_239, %dma_wait3A_246] : memref<4x2048x1536xf32, #tpu.memory_space<hbm>> -> memref<1x16x1536xf32, #tpu.memory_space<hbm>>
    %dma_wait3A_248 = tpu.memref_squeeze %dma_wait3A_247 : memref<1x16x1536xf32, #tpu.memory_space<hbm>> -> memref<16x1536xf32, #tpu.memory_space<hbm>>
    %dma_wait3A_249 = arith.constant 0 : i32
    %dma_wait3A_250 = tpu.memref_slice %arg5[%select_n3A, %add3A_239, %dma_wait3A_249] : memref<4x2048x1536xf32, #tpu.memory_space<hbm>> -> memref<1x16x1536xf32, #tpu.memory_space<hbm>>
    %dma_wait3A_251 = tpu.memref_squeeze %dma_wait3A_250 : memref<1x16x1536xf32, #tpu.memory_space<hbm>> -> memref<16x1536xf32, #tpu.memory_space<hbm>>
    tpu.wait_dma2 semaphore(%arg19 : memref<!tpu.dma_semaphore, #tpu.memory_space<semaphore_mem>>) src(%arg11 : memref<16x1536xf32, #tpu.memory_space<vmem>>) dst(%dma_wait3A_251 : memref<16x1536xf32, #tpu.memory_space<hbm>>)
    %dma_start3A_252 = arith.constant 0 : i32
    %dma_start3A_253 = arith.constant 0 : i32
    %dma_start3A_254 = tpu.memref_slice %arg11[%dma_start3A_252, %dma_start3A_253] : memref<16x1536xf32, #tpu.memory_space<vmem>> -> memref<16x768xf32, #tpu.memory_space<vmem>>
    %dma_start3A_255 = arith.constant 112 : i32
    %dma_start3A_256 = tpu.memref_slice %arg6[%dma_start3A_255] : memref<256xi32, #tpu.memory_space<vmem>> -> memref<16xi32, #tpu.memory_space<vmem>>
    %dma_start3A_257 = arith.constant 0 : i32
    %dma_start3A_258 = arith.constant 0 : i32
    %dma_start3A_259 = tpu.memref_slice %arg2[%dma_start3A_257, %dma_start3A_258] : memref<16384x768xf32, #tpu.memory_space<hbm>> -> memref<16384x768xf32, #tpu.memory_space<hbm>>
    tpu.enqueue_indirect_dma source(%dma_start3A_259 : memref<16384x768xf32, #tpu.memory_space<hbm>>) target(%dma_start3A_254 : memref<16x768xf32, #tpu.memory_space<vmem>>) offsets(%dma_start3A_256 : memref<16xi32, #tpu.memory_space<vmem>>) semaphore(%arg15 : memref<!tpu.dma_semaphore, #tpu.memory_space<semaphore_mem>>)
    %dma_start3A_260 = arith.constant 0 : i32
    %dma_start3A_261 = arith.constant 768 : i32
    %dma_start3A_262 = tpu.memref_slice %arg11[%dma_start3A_260, %dma_start3A_261] : memref<16x1536xf32, #tpu.memory_space<vmem>> -> memref<16x768xf32, #tpu.memory_space<vmem>>
    %dma_start3A_263 = arith.constant 112 : i32
    %dma_start3A_264 = tpu.memref_slice %arg7[%dma_start3A_263] : memref<256xi32, #tpu.memory_space<vmem>> -> memref<16xi32, #tpu.memory_space<vmem>>
    %dma_start3A_265 = arith.constant 0 : i32
    %dma_start3A_266 = arith.constant 0 : i32
    %dma_start3A_267 = tpu.memref_slice %arg2[%dma_start3A_265, %dma_start3A_266] : memref<16384x768xf32, #tpu.memory_space<hbm>> -> memref<16384x768xf32, #tpu.memory_space<hbm>>
    tpu.enqueue_indirect_dma source(%dma_start3A_267 : memref<16384x768xf32, #tpu.memory_space<hbm>>) target(%dma_start3A_262 : memref<16x768xf32, #tpu.memory_space<vmem>>) offsets(%dma_start3A_264 : memref<16xi32, #tpu.memory_space<vmem>>) semaphore(%arg15 : memref<!tpu.dma_semaphore, #tpu.memory_space<semaphore_mem>>)
    %dma_wait3A_268 = arith.constant 0 : i32
    %dma_wait3A_269 = arith.constant 0 : i32
    %dma_wait3A_270 = tpu.memref_slice %arg8[%dma_wait3A_268, %dma_wait3A_269] : memref<16x1536xf32, #tpu.memory_space<vmem>> -> memref<16x768xf32, #tpu.memory_space<vmem>>
    %dma_wait3A_271 = arith.constant 64 : i32
    %dma_wait3A_272 = tpu.memref_slice %arg6[%dma_wait3A_271] : memref<256xi32, #tpu.memory_space<vmem>> -> memref<16xi32, #tpu.memory_space<vmem>>
    %dma_wait3A_273 = arith.constant 0 : i32
    %dma_wait3A_274 = arith.constant 0 : i32
    %dma_wait3A_275 = tpu.memref_slice %arg2[%dma_wait3A_273, %dma_wait3A_274] : memref<16384x768xf32, #tpu.memory_space<hbm>> -> memref<16384x768xf32, #tpu.memory_space<hbm>>
    tpu.wait_indirect_dma semaphore(%arg12 : memref<!tpu.dma_semaphore, #tpu.memory_space<semaphore_mem>>) src(%dma_wait3A_275 : memref<16384x768xf32, #tpu.memory_space<hbm>>) dst(%dma_wait3A_270 : memref<16x768xf32, #tpu.memory_space<vmem>>)
    %dma_wait3A_276 = arith.constant 0 : i32
    %dma_wait3A_277 = arith.constant 768 : i32
    %dma_wait3A_278 = tpu.memref_slice %arg8[%dma_wait3A_276, %dma_wait3A_277] : memref<16x1536xf32, #tpu.memory_space<vmem>> -> memref<16x768xf32, #tpu.memory_space<vmem>>
    %dma_wait3A_279 = arith.constant 64 : i32
    %dma_wait3A_280 = tpu.memref_slice %arg7[%dma_wait3A_279] : memref<256xi32, #tpu.memory_space<vmem>> -> memref<16xi32, #tpu.memory_space<vmem>>
    %dma_wait3A_281 = arith.constant 0 : i32
    %dma_wait3A_282 = arith.constant 0 : i32
    %dma_wait3A_283 = tpu.memref_slice %arg2[%dma_wait3A_281, %dma_wait3A_282] : memref<16384x768xf32, #tpu.memory_space<hbm>> -> memref<16384x768xf32, #tpu.memory_space<hbm>>
    tpu.wait_indirect_dma semaphore(%arg12 : memref<!tpu.dma_semaphore, #tpu.memory_space<semaphore_mem>>) src(%dma_wait3A_283 : memref<16384x768xf32, #tpu.memory_space<hbm>>) dst(%dma_wait3A_278 : memref<16x768xf32, #tpu.memory_space<vmem>>)
    %add3A_284 = arith.constant 64 : i32
    %add3A_285 = arith.addi %sub3A_21, %add3A_284 : i32
    %dma_start3A_286 = arith.constant 0 : i32
    %dma_start3A_287 = tpu.memref_slice %arg5[%select_n3A, %add3A_285, %dma_start3A_286] : memref<4x2048x1536xf32, #tpu.memory_space<hbm>> -> memref<1x16x1536xf32, #tpu.memory_space<hbm>>
    %dma_start3A_288 = tpu.memref_squeeze %dma_start3A_287 : memref<1x16x1536xf32, #tpu.memory_space<hbm>> -> memref<16x1536xf32, #tpu.memory_space<hbm>>
    %dma_start3A_289 = arith.constant 0 : i32
    %dma_start3A_290 = tpu.memref_slice %arg5[%select_n3A, %add3A_285, %dma_start3A_289] : memref<4x2048x1536xf32, #tpu.memory_space<hbm>> -> memref<1x16x1536xf32, #tpu.memory_space<hbm>>
    %dma_start3A_291 = tpu.memref_squeeze %dma_start3A_290 : memref<1x16x1536xf32, #tpu.memory_space<hbm>> -> memref<16x1536xf32, #tpu.memory_space<hbm>>
    tpu.enqueue_dma source(%arg8 : memref<16x1536xf32, #tpu.memory_space<vmem>>) target(%dma_start3A_291 : memref<16x1536xf32, #tpu.memory_space<hbm>>) target_semaphore(%arg16 : memref<!tpu.dma_semaphore, #tpu.memory_space<semaphore_mem>>)
    %dma_wait3A_292 = arith.constant 0 : i32
    %dma_wait3A_293 = tpu.memref_slice %arg5[%select_n3A, %add3A_285, %dma_wait3A_292] : memref<4x2048x1536xf32, #tpu.memory_space<hbm>> -> memref<1x16x1536xf32, #tpu.memory_space<hbm>>
    %dma_wait3A_294 = tpu.memref_squeeze %dma_wait3A_293 : memref<1x16x1536xf32, #tpu.memory_space<hbm>> -> memref<16x1536xf32, #tpu.memory_space<hbm>>
    %dma_wait3A_295 = arith.constant 0 : i32
    %dma_wait3A_296 = tpu.memref_slice %arg5[%select_n3A, %add3A_285, %dma_wait3A_295] : memref<4x2048x1536xf32, #tpu.memory_space<hbm>> -> memref<1x16x1536xf32, #tpu.memory_space<hbm>>
    %dma_wait3A_297 = tpu.memref_squeeze %dma_wait3A_296 : memref<1x16x1536xf32, #tpu.memory_space<hbm>> -> memref<16x1536xf32, #tpu.memory_space<hbm>>
    tpu.wait_dma2 semaphore(%arg16 : memref<!tpu.dma_semaphore, #tpu.memory_space<semaphore_mem>>) src(%arg8 : memref<16x1536xf32, #tpu.memory_space<vmem>>) dst(%dma_wait3A_297 : memref<16x1536xf32, #tpu.memory_space<hbm>>)
    %dma_start3A_298 = arith.constant 0 : i32
    %dma_start3A_299 = arith.constant 0 : i32
    %dma_start3A_300 = tpu.memref_slice %arg8[%dma_start3A_298, %dma_start3A_299] : memref<16x1536xf32, #tpu.memory_space<vmem>> -> memref<16x768xf32, #tpu.memory_space<vmem>>
    %dma_start3A_301 = arith.constant 128 : i32
    %dma_start3A_302 = tpu.memref_slice %arg6[%dma_start3A_301] : memref<256xi32, #tpu.memory_space<vmem>> -> memref<16xi32, #tpu.memory_space<vmem>>
    %dma_start3A_303 = arith.constant 0 : i32
    %dma_start3A_304 = arith.constant 0 : i32
    %dma_start3A_305 = tpu.memref_slice %arg2[%dma_start3A_303, %dma_start3A_304] : memref<16384x768xf32, #tpu.memory_space<hbm>> -> memref<16384x768xf32, #tpu.memory_space<hbm>>
    tpu.enqueue_indirect_dma source(%dma_start3A_305 : memref<16384x768xf32, #tpu.memory_space<hbm>>) target(%dma_start3A_300 : memref<16x768xf32, #tpu.memory_space<vmem>>) offsets(%dma_start3A_302 : memref<16xi32, #tpu.memory_space<vmem>>) semaphore(%arg12 : memref<!tpu.dma_semaphore, #tpu.memory_space<semaphore_mem>>)
    %dma_start3A_306 = arith.constant 0 : i32
    %dma_start3A_307 = arith.constant 768 : i32
    %dma_start3A_308 = tpu.memref_slice %arg8[%dma_start3A_306, %dma_start3A_307] : memref<16x1536xf32, #tpu.memory_space<vmem>> -> memref<16x768xf32, #tpu.memory_space<vmem>>
    %dma_start3A_309 = arith.constant 128 : i32
    %dma_start3A_310 = tpu.memref_slice %arg7[%dma_start3A_309] : memref<256xi32, #tpu.memory_space<vmem>> -> memref<16xi32, #tpu.memory_space<vmem>>
    %dma_start3A_311 = arith.constant 0 : i32
    %dma_start3A_312 = arith.constant 0 : i32
    %dma_start3A_313 = tpu.memref_slice %arg2[%dma_start3A_311, %dma_start3A_312] : memref<16384x768xf32, #tpu.memory_space<hbm>> -> memref<16384x768xf32, #tpu.memory_space<hbm>>
    tpu.enqueue_indirect_dma source(%dma_start3A_313 : memref<16384x768xf32, #tpu.memory_space<hbm>>) target(%dma_start3A_308 : memref<16x768xf32, #tpu.memory_space<vmem>>) offsets(%dma_start3A_310 : memref<16xi32, #tpu.memory_space<vmem>>) semaphore(%arg12 : memref<!tpu.dma_semaphore, #tpu.memory_space<semaphore_mem>>)
    %dma_wait3A_314 = arith.constant 0 : i32
    %dma_wait3A_315 = arith.constant 0 : i32
    %dma_wait3A_316 = tpu.memref_slice %arg9[%dma_wait3A_314, %dma_wait3A_315] : memref<16x1536xf32, #tpu.memory_space<vmem>> -> memref<16x768xf32, #tpu.memory_space<vmem>>
    %dma_wait3A_317 = arith.constant 80 : i32
    %dma_wait3A_318 = tpu.memref_slice %arg6[%dma_wait3A_317] : memref<256xi32, #tpu.memory_space<vmem>> -> memref<16xi32, #tpu.memory_space<vmem>>
    %dma_wait3A_319 = arith.constant 0 : i32
    %dma_wait3A_320 = arith.constant 0 : i32
    %dma_wait3A_321 = tpu.memref_slice %arg2[%dma_wait3A_319, %dma_wait3A_320] : memref<16384x768xf32, #tpu.memory_space<hbm>> -> memref<16384x768xf32, #tpu.memory_space<hbm>>
    tpu.wait_indirect_dma semaphore(%arg13 : memref<!tpu.dma_semaphore, #tpu.memory_space<semaphore_mem>>) src(%dma_wait3A_321 : memref<16384x768xf32, #tpu.memory_space<hbm>>) dst(%dma_wait3A_316 : memref<16x768xf32, #tpu.memory_space<vmem>>)
    %dma_wait3A_322 = arith.constant 0 : i32
    %dma_wait3A_323 = arith.constant 768 : i32
    %dma_wait3A_324 = tpu.memref_slice %arg9[%dma_wait3A_322, %dma_wait3A_323] : memref<16x1536xf32, #tpu.memory_space<vmem>> -> memref<16x768xf32, #tpu.memory_space<vmem>>
    %dma_wait3A_325 = arith.constant 80 : i32
    %dma_wait3A_326 = tpu.memref_slice %arg7[%dma_wait3A_325] : memref<256xi32, #tpu.memory_space<vmem>> -> memref<16xi32, #tpu.memory_space<vmem>>
    %dma_wait3A_327 = arith.constant 0 : i32
    %dma_wait3A_328 = arith.constant 0 : i32
    %dma_wait3A_329 = tpu.memref_slice %arg2[%dma_wait3A_327, %dma_wait3A_328] : memref<16384x768xf32, #tpu.memory_space<hbm>> -> memref<16384x768xf32, #tpu.memory_space<hbm>>
    tpu.wait_indirect_dma semaphore(%arg13 : memref<!tpu.dma_semaphore, #tpu.memory_space<semaphore_mem>>) src(%dma_wait3A_329 : memref<16384x768xf32, #tpu.memory_space<hbm>>) dst(%dma_wait3A_324 : memref<16x768xf32, #tpu.memory_space<vmem>>)
    %add3A_330 = arith.constant 80 : i32
    %add3A_331 = arith.addi %sub3A_21, %add3A_330 : i32
    %dma_start3A_332 = arith.constant 0 : i32
    %dma_start3A_333 = tpu.memref_slice %arg5[%select_n3A, %add3A_331, %dma_start3A_332] : memref<4x2048x1536xf32, #tpu.memory_space<hbm>> -> memref<1x16x1536xf32, #tpu.memory_space<hbm>>
    %dma_start3A_334 = tpu.memref_squeeze %dma_start3A_333 : memref<1x16x1536xf32, #tpu.memory_space<hbm>> -> memref<16x1536xf32, #tpu.memory_space<hbm>>
    %dma_start3A_335 = arith.constant 0 : i32
    %dma_start3A_336 = tpu.memref_slice %arg5[%select_n3A, %add3A_331, %dma_start3A_335] : memref<4x2048x1536xf32, #tpu.memory_space<hbm>> -> memref<1x16x1536xf32, #tpu.memory_space<hbm>>
    %dma_start3A_337 = tpu.memref_squeeze %dma_start3A_336 : memref<1x16x1536xf32, #tpu.memory_space<hbm>> -> memref<16x1536xf32, #tpu.memory_space<hbm>>
    tpu.enqueue_dma source(%arg9 : memref<16x1536xf32, #tpu.memory_space<vmem>>) target(%dma_start3A_337 : memref<16x1536xf32, #tpu.memory_space<hbm>>) target_semaphore(%arg17 : memref<!tpu.dma_semaphore, #tpu.memory_space<semaphore_mem>>)
    %dma_wait3A_338 = arith.constant 0 : i32
    %dma_wait3A_339 = tpu.memref_slice %arg5[%select_n3A, %add3A_331, %dma_wait3A_338] : memref<4x2048x1536xf32, #tpu.memory_space<hbm>> -> memref<1x16x1536xf32, #tpu.memory_space<hbm>>
    %dma_wait3A_340 = tpu.memref_squeeze %dma_wait3A_339 : memref<1x16x1536xf32, #tpu.memory_space<hbm>> -> memref<16x1536xf32, #tpu.memory_space<hbm>>
    %dma_wait3A_341 = arith.constant 0 : i32
    %dma_wait3A_342 = tpu.memref_slice %arg5[%select_n3A, %add3A_331, %dma_wait3A_341] : memref<4x2048x1536xf32, #tpu.memory_space<hbm>> -> memref<1x16x1536xf32, #tpu.memory_space<hbm>>
    %dma_wait3A_343 = tpu.memref_squeeze %dma_wait3A_342 : memref<1x16x1536xf32, #tpu.memory_space<hbm>> -> memref<16x1536xf32, #tpu.memory_space<hbm>>
    tpu.wait_dma2 semaphore(%arg17 : memref<!tpu.dma_semaphore, #tpu.memory_space<semaphore_mem>>) src(%arg9 : memref<16x1536xf32, #tpu.memory_space<vmem>>) dst(%dma_wait3A_343 : memref<16x1536xf32, #tpu.memory_space<hbm>>)
    %dma_start3A_344 = arith.constant 0 : i32
    %dma_start3A_345 = arith.constant 0 : i32
    %dma_start3A_346 = tpu.memref_slice %arg9[%dma_start3A_344, %dma_start3A_345] : memref<16x1536xf32, #tpu.memory_space<vmem>> -> memref<16x768xf32, #tpu.memory_space<vmem>>
    %dma_start3A_347 = arith.constant 144 : i32
    %dma_start3A_348 = tpu.memref_slice %arg6[%dma_start3A_347] : memref<256xi32, #tpu.memory_space<vmem>> -> memref<16xi32, #tpu.memory_space<vmem>>
    %dma_start3A_349 = arith.constant 0 : i32
    %dma_start3A_350 = arith.constant 0 : i32
    %dma_start3A_351 = tpu.memref_slice %arg2[%dma_start3A_349, %dma_start3A_350] : memref<16384x768xf32, #tpu.memory_space<hbm>> -> memref<16384x768xf32, #tpu.memory_space<hbm>>
    tpu.enqueue_indirect_dma source(%dma_start3A_351 : memref<16384x768xf32, #tpu.memory_space<hbm>>) target(%dma_start3A_346 : memref<16x768xf32, #tpu.memory_space<vmem>>) offsets(%dma_start3A_348 : memref<16xi32, #tpu.memory_space<vmem>>) semaphore(%arg13 : memref<!tpu.dma_semaphore, #tpu.memory_space<semaphore_mem>>)
    %dma_start3A_352 = arith.constant 0 : i32
    %dma_start3A_353 = arith.constant 768 : i32
    %dma_start3A_354 = tpu.memref_slice %arg9[%dma_start3A_352, %dma_start3A_353] : memref<16x1536xf32, #tpu.memory_space<vmem>> -> memref<16x768xf32, #tpu.memory_space<vmem>>
    %dma_start3A_355 = arith.constant 144 : i32
    %dma_start3A_356 = tpu.memref_slice %arg7[%dma_start3A_355] : memref<256xi32, #tpu.memory_space<vmem>> -> memref<16xi32, #tpu.memory_space<vmem>>
    %dma_start3A_357 = arith.constant 0 : i32
    %dma_start3A_358 = arith.constant 0 : i32
    %dma_start3A_359 = tpu.memref_slice %arg2[%dma_start3A_357, %dma_start3A_358] : memref<16384x768xf32, #tpu.memory_space<hbm>> -> memref<16384x768xf32, #tpu.memory_space<hbm>>
    tpu.enqueue_indirect_dma source(%dma_start3A_359 : memref<16384x768xf32, #tpu.memory_space<hbm>>) target(%dma_start3A_354 : memref<16x768xf32, #tpu.memory_space<vmem>>) offsets(%dma_start3A_356 : memref<16xi32, #tpu.memory_space<vmem>>) semaphore(%arg13 : memref<!tpu.dma_semaphore, #tpu.memory_space<semaphore_mem>>)
    %dma_wait3A_360 = arith.constant 0 : i32
    %dma_wait3A_361 = arith.constant 0 : i32
    %dma_wait3A_362 = tpu.memref_slice %arg10[%dma_wait3A_360, %dma_wait3A_361] : memref<16x1536xf32, #tpu.memory_space<vmem>> -> memref<16x768xf32, #tpu.memory_space<vmem>>
    %dma_wait3A_363 = arith.constant 96 : i32
    %dma_wait3A_364 = tpu.memref_slice %arg6[%dma_wait3A_363] : memref<256xi32, #tpu.memory_space<vmem>> -> memref<16xi32, #tpu.memory_space<vmem>>
    %dma_wait3A_365 = arith.constant 0 : i32
    %dma_wait3A_366 = arith.constant 0 : i32
    %dma_wait3A_367 = tpu.memref_slice %arg2[%dma_wait3A_365, %dma_wait3A_366] : memref<16384x768xf32, #tpu.memory_space<hbm>> -> memref<16384x768xf32, #tpu.memory_space<hbm>>
    tpu.wait_indirect_dma semaphore(%arg14 : memref<!tpu.dma_semaphore, #tpu.memory_space<semaphore_mem>>) src(%dma_wait3A_367 : memref<16384x768xf32, #tpu.memory_space<hbm>>) dst(%dma_wait3A_362 : memref<16x768xf32, #tpu.memory_space<vmem>>)
    %dma_wait3A_368 = arith.constant 0 : i32
    %dma_wait3A_369 = arith.constant 768 : i32
    %dma_wait3A_370 = tpu.memref_slice %arg10[%dma_wait3A_368, %dma_wait3A_369] : memref<16x1536xf32, #tpu.memory_space<vmem>> -> memref<16x768xf32, #tpu.memory_space<vmem>>
    %dma_wait3A_371 = arith.constant 96 : i32
    %dma_wait3A_372 = tpu.memref_slice %arg7[%dma_wait3A_371] : memref<256xi32, #tpu.memory_space<vmem>> -> memref<16xi32, #tpu.memory_space<vmem>>
    %dma_wait3A_373 = arith.constant 0 : i32
    %dma_wait3A_374 = arith.constant 0 : i32
    %dma_wait3A_375 = tpu.memref_slice %arg2[%dma_wait3A_373, %dma_wait3A_374] : memref<16384x768xf32, #tpu.memory_space<hbm>> -> memref<16384x768xf32, #tpu.memory_space<hbm>>
    tpu.wait_indirect_dma semaphore(%arg14 : memref<!tpu.dma_semaphore, #tpu.memory_space<semaphore_mem>>) src(%dma_wait3A_375 : memref<16384x768xf32, #tpu.memory_space<hbm>>) dst(%dma_wait3A_370 : memref<16x768xf32, #tpu.memory_space<vmem>>)
    %add3A_376 = arith.constant 96 : i32
    %add3A_377 = arith.addi %sub3A_21, %add3A_376 : i32
    %dma_start3A_378 = arith.constant 0 : i32
    %dma_start3A_379 = tpu.memref_slice %arg5[%select_n3A, %add3A_377, %dma_start3A_378] : memref<4x2048x1536xf32, #tpu.memory_space<hbm>> -> memref<1x16x1536xf32, #tpu.memory_space<hbm>>
    %dma_start3A_380 = tpu.memref_squeeze %dma_start3A_379 : memref<1x16x1536xf32, #tpu.memory_space<hbm>> -> memref<16x1536xf32, #tpu.memory_space<hbm>>
    %dma_start3A_381 = arith.constant 0 : i32
    %dma_start3A_382 = tpu.memref_slice %arg5[%select_n3A, %add3A_377, %dma_start3A_381] : memref<4x2048x1536xf32, #tpu.memory_space<hbm>> -> memref<1x16x1536xf32, #tpu.memory_space<hbm>>
    %dma_start3A_383 = tpu.memref_squeeze %dma_start3A_382 : memref<1x16x1536xf32, #tpu.memory_space<hbm>> -> memref<16x1536xf32, #tpu.memory_space<hbm>>
    tpu.enqueue_dma source(%arg10 : memref<16x1536xf32, #tpu.memory_space<vmem>>) target(%dma_start3A_383 : memref<16x1536xf32, #tpu.memory_space<hbm>>) target_semaphore(%arg18 : memref<!tpu.dma_semaphore, #tpu.memory_space<semaphore_mem>>)
    %dma_wait3A_384 = arith.constant 0 : i32
    %dma_wait3A_385 = tpu.memref_slice %arg5[%select_n3A, %add3A_377, %dma_wait3A_384] : memref<4x2048x1536xf32, #tpu.memory_space<hbm>> -> memref<1x16x1536xf32, #tpu.memory_space<hbm>>
    %dma_wait3A_386 = tpu.memref_squeeze %dma_wait3A_385 : memref<1x16x1536xf32, #tpu.memory_space<hbm>> -> memref<16x1536xf32, #tpu.memory_space<hbm>>
    %dma_wait3A_387 = arith.constant 0 : i32
    %dma_wait3A_388 = tpu.memref_slice %arg5[%select_n3A, %add3A_377, %dma_wait3A_387] : memref<4x2048x1536xf32, #tpu.memory_space<hbm>> -> memref<1x16x1536xf32, #tpu.memory_space<hbm>>
    %dma_wait3A_389 = tpu.memref_squeeze %dma_wait3A_388 : memref<1x16x1536xf32, #tpu.memory_space<hbm>> -> memref<16x1536xf32, #tpu.memory_space<hbm>>
    tpu.wait_dma2 semaphore(%arg18 : memref<!tpu.dma_semaphore, #tpu.memory_space<semaphore_mem>>) src(%arg10 : memref<16x1536xf32, #tpu.memory_space<vmem>>) dst(%dma_wait3A_389 : memref<16x1536xf32, #tpu.memory_space<hbm>>)
    %dma_start3A_390 = arith.constant 0 : i32
    %dma_start3A_391 = arith.constant 0 : i32
    %dma_start3A_392 = tpu.memref_slice %arg10[%dma_start3A_390, %dma_start3A_391] : memref<16x1536xf32, #tpu.memory_space<vmem>> -> memref<16x768xf32, #tpu.memory_space<vmem>>
    %dma_start3A_393 = arith.constant 160 : i32
    %dma_start3A_394 = tpu.memref_slice %arg6[%dma_start3A_393] : memref<256xi32, #tpu.memory_space<vmem>> -> memref<16xi32, #tpu.memory_space<vmem>>
    %dma_start3A_395 = arith.constant 0 : i32
    %dma_start3A_396 = arith.constant 0 : i32
    %dma_start3A_397 = tpu.memref_slice %arg2[%dma_start3A_395, %dma_start3A_396] : memref<16384x768xf32, #tpu.memory_space<hbm>> -> memref<16384x768xf32, #tpu.memory_space<hbm>>
    tpu.enqueue_indirect_dma source(%dma_start3A_397 : memref<16384x768xf32, #tpu.memory_space<hbm>>) target(%dma_start3A_392 : memref<16x768xf32, #tpu.memory_space<vmem>>) offsets(%dma_start3A_394 : memref<16xi32, #tpu.memory_space<vmem>>) semaphore(%arg14 : memref<!tpu.dma_semaphore, #tpu.memory_space<semaphore_mem>>)
    %dma_start3A_398 = arith.constant 0 : i32
    %dma_start3A_399 = arith.constant 768 : i32
    %dma_start3A_400 = tpu.memref_slice %arg10[%dma_start3A_398, %dma_start3A_399] : memref<16x1536xf32, #tpu.memory_space<vmem>> -> memref<16x768xf32, #tpu.memory_space<vmem>>
    %dma_start3A_401 = arith.constant 160 : i32
    %dma_start3A_402 = tpu.memref_slice %arg7[%dma_start3A_401] : memref<256xi32, #tpu.memory_space<vmem>> -> memref<16xi32, #tpu.memory_space<vmem>>
    %dma_start3A_403 = arith.constant 0 : i32
    %dma_start3A_404 = arith.constant 0 : i32
    %dma_start3A_405 = tpu.memref_slice %arg2[%dma_start3A_403, %dma_start3A_404] : memref<16384x768xf32, #tpu.memory_space<hbm>> -> memref<16384x768xf32, #tpu.memory_space<hbm>>
    tpu.enqueue_indirect_dma source(%dma_start3A_405 : memref<16384x768xf32, #tpu.memory_space<hbm>>) target(%dma_start3A_400 : memref<16x768xf32, #tpu.memory_space<vmem>>) offsets(%dma_start3A_402 : memref<16xi32, #tpu.memory_space<vmem>>) semaphore(%arg14 : memref<!tpu.dma_semaphore, #tpu.memory_space<semaphore_mem>>)
    %dma_wait3A_406 = arith.constant 0 : i32
    %dma_wait3A_407 = arith.constant 0 : i32
    %dma_wait3A_408 = tpu.memref_slice %arg11[%dma_wait3A_406, %dma_wait3A_407] : memref<16x1536xf32, #tpu.memory_space<vmem>> -> memref<16x768xf32, #tpu.memory_space<vmem>>
    %dma_wait3A_409 = arith.constant 112 : i32
    %dma_wait3A_410 = tpu.memref_slice %arg6[%dma_wait3A_409] : memref<256xi32, #tpu.memory_space<vmem>> -> memref<16xi32, #tpu.memory_space<vmem>>
    %dma_wait3A_411 = arith.constant 0 : i32
    %dma_wait3A_412 = arith.constant 0 : i32
    %dma_wait3A_413 = tpu.memref_slice %arg2[%dma_wait3A_411, %dma_wait3A_412] : memref<16384x768xf32, #tpu.memory_space<hbm>> -> memref<16384x768xf32, #tpu.memory_space<hbm>>
    tpu.wait_indirect_dma semaphore(%arg15 : memref<!tpu.dma_semaphore, #tpu.memory_space<semaphore_mem>>) src(%dma_wait3A_413 : memref<16384x768xf32, #tpu.memory_space<hbm>>) dst(%dma_wait3A_408 : memref<16x768xf32, #tpu.memory_space<vmem>>)
    %dma_wait3A_414 = arith.constant 0 : i32
    %dma_wait3A_415 = arith.constant 768 : i32
    %dma_wait3A_416 = tpu.memref_slice %arg11[%dma_wait3A_414, %dma_wait3A_415] : memref<16x1536xf32, #tpu.memory_space<vmem>> -> memref<16x768xf32, #tpu.memory_space<vmem>>
    %dma_wait3A_417 = arith.constant 112 : i32
    %dma_wait3A_418 = tpu.memref_slice %arg7[%dma_wait3A_417] : memref<256xi32, #tpu.memory_space<vmem>> -> memref<16xi32, #tpu.memory_space<vmem>>
    %dma_wait3A_419 = arith.constant 0 : i32
    %dma_wait3A_420 = arith.constant 0 : i32
    %dma_wait3A_421 = tpu.memref_slice %arg2[%dma_wait3A_419, %dma_wait3A_420] : memref<16384x768xf32, #tpu.memory_space<hbm>> -> memref<16384x768xf32, #tpu.memory_space<hbm>>
    tpu.wait_indirect_dma semaphore(%arg15 : memref<!tpu.dma_semaphore, #tpu.memory_space<semaphore_mem>>) src(%dma_wait3A_421 : memref<16384x768xf32, #tpu.memory_space<hbm>>) dst(%dma_wait3A_416 : memref<16x768xf32, #tpu.memory_space<vmem>>)
    %add3A_422 = arith.constant 112 : i32
    %add3A_423 = arith.addi %sub3A_21, %add3A_422 : i32
    %dma_start3A_424 = arith.constant 0 : i32
    %dma_start3A_425 = tpu.memref_slice %arg5[%select_n3A, %add3A_423, %dma_start3A_424] : memref<4x2048x1536xf32, #tpu.memory_space<hbm>> -> memref<1x16x1536xf32, #tpu.memory_space<hbm>>
    %dma_start3A_426 = tpu.memref_squeeze %dma_start3A_425 : memref<1x16x1536xf32, #tpu.memory_space<hbm>> -> memref<16x1536xf32, #tpu.memory_space<hbm>>
    %dma_start3A_427 = arith.constant 0 : i32
    %dma_start3A_428 = tpu.memref_slice %arg5[%select_n3A, %add3A_423, %dma_start3A_427] : memref<4x2048x1536xf32, #tpu.memory_space<hbm>> -> memref<1x16x1536xf32, #tpu.memory_space<hbm>>
    %dma_start3A_429 = tpu.memref_squeeze %dma_start3A_428 : memref<1x16x1536xf32, #tpu.memory_space<hbm>> -> memref<16x1536xf32, #tpu.memory_space<hbm>>
    tpu.enqueue_dma source(%arg11 : memref<16x1536xf32, #tpu.memory_space<vmem>>) target(%dma_start3A_429 : memref<16x1536xf32, #tpu.memory_space<hbm>>) target_semaphore(%arg19 : memref<!tpu.dma_semaphore, #tpu.memory_space<semaphore_mem>>)
    %dma_wait3A_430 = arith.constant 0 : i32
    %dma_wait3A_431 = tpu.memref_slice %arg5[%select_n3A, %add3A_423, %dma_wait3A_430] : memref<4x2048x1536xf32, #tpu.memory_space<hbm>> -> memref<1x16x1536xf32, #tpu.memory_space<hbm>>
    %dma_wait3A_432 = tpu.memref_squeeze %dma_wait3A_431 : memref<1x16x1536xf32, #tpu.memory_space<hbm>> -> memref<16x1536xf32, #tpu.memory_space<hbm>>
    %dma_wait3A_433 = arith.constant 0 : i32
    %dma_wait3A_434 = tpu.memref_slice %arg5[%select_n3A, %add3A_423, %dma_wait3A_433] : memref<4x2048x1536xf32, #tpu.memory_space<hbm>> -> memref<1x16x1536xf32, #tpu.memory_space<hbm>>
    %dma_wait3A_435 = tpu.memref_squeeze %dma_wait3A_434 : memref<1x16x1536xf32, #tpu.memory_space<hbm>> -> memref<16x1536xf32, #tpu.memory_space<hbm>>
    tpu.wait_dma2 semaphore(%arg19 : memref<!tpu.dma_semaphore, #tpu.memory_space<semaphore_mem>>) src(%arg11 : memref<16x1536xf32, #tpu.memory_space<vmem>>) dst(%dma_wait3A_435 : memref<16x1536xf32, #tpu.memory_space<hbm>>)
    %dma_start3A_436 = arith.constant 0 : i32
    %dma_start3A_437 = arith.constant 0 : i32
    %dma_start3A_438 = tpu.memref_slice %arg11[%dma_start3A_436, %dma_start3A_437] : memref<16x1536xf32, #tpu.memory_space<vmem>> -> memref<16x768xf32, #tpu.memory_space<vmem>>
    %dma_start3A_439 = arith.constant 176 : i32
    %dma_start3A_440 = tpu.memref_slice %arg6[%dma_start3A_439] : memref<256xi32, #tpu.memory_space<vmem>> -> memref<16xi32, #tpu.memory_space<vmem>>
    %dma_start3A_441 = arith.constant 0 : i32
    %dma_start3A_442 = arith.constant 0 : i32
    %dma_start3A_443 = tpu.memref_slice %arg2[%dma_start3A_441, %dma_start3A_442] : memref<16384x768xf32, #tpu.memory_space<hbm>> -> memref<16384x768xf32, #tpu.memory_space<hbm>>
    tpu.enqueue_indirect_dma source(%dma_start3A_443 : memref<16384x768xf32, #tpu.memory_space<hbm>>) target(%dma_start3A_438 : memref<16x768xf32, #tpu.memory_space<vmem>>) offsets(%dma_start3A_440 : memref<16xi32, #tpu.memory_space<vmem>>) semaphore(%arg15 : memref<!tpu.dma_semaphore, #tpu.memory_space<semaphore_mem>>)
    %dma_start3A_444 = arith.constant 0 : i32
    %dma_start3A_445 = arith.constant 768 : i32
    %dma_start3A_446 = tpu.memref_slice %arg11[%dma_start3A_444, %dma_start3A_445] : memref<16x1536xf32, #tpu.memory_space<vmem>> -> memref<16x768xf32, #tpu.memory_space<vmem>>
    %dma_start3A_447 = arith.constant 176 : i32
    %dma_start3A_448 = tpu.memref_slice %arg7[%dma_start3A_447] : memref<256xi32, #tpu.memory_space<vmem>> -> memref<16xi32, #tpu.memory_space<vmem>>
    %dma_start3A_449 = arith.constant 0 : i32
    %dma_start3A_450 = arith.constant 0 : i32
    %dma_start3A_451 = tpu.memref_slice %arg2[%dma_start3A_449, %dma_start3A_450] : memref<16384x768xf32, #tpu.memory_space<hbm>> -> memref<16384x768xf32, #tpu.memory_space<hbm>>
    tpu.enqueue_indirect_dma source(%dma_start3A_451 : memref<16384x768xf32, #tpu.memory_space<hbm>>) target(%dma_start3A_446 : memref<16x768xf32, #tpu.memory_space<vmem>>) offsets(%dma_start3A_448 : memref<16xi32, #tpu.memory_space<vmem>>) semaphore(%arg15 : memref<!tpu.dma_semaphore, #tpu.memory_space<semaphore_mem>>)
    %dma_wait3A_452 = arith.constant 0 : i32
    %dma_wait3A_453 = arith.constant 0 : i32
    %dma_wait3A_454 = tpu.memref_slice %arg8[%dma_wait3A_452, %dma_wait3A_453] : memref<16x1536xf32, #tpu.memory_space<vmem>> -> memref<16x768xf32, #tpu.memory_space<vmem>>
    %dma_wait3A_455 = arith.constant 128 : i32
    %dma_wait3A_456 = tpu.memref_slice %arg6[%dma_wait3A_455] : memref<256xi32, #tpu.memory_space<vmem>> -> memref<16xi32, #tpu.memory_space<vmem>>
    %dma_wait3A_457 = arith.constant 0 : i32
    %dma_wait3A_458 = arith.constant 0 : i32
    %dma_wait3A_459 = tpu.memref_slice %arg2[%dma_wait3A_457, %dma_wait3A_458] : memref<16384x768xf32, #tpu.memory_space<hbm>> -> memref<16384x768xf32, #tpu.memory_space<hbm>>
    tpu.wait_indirect_dma semaphore(%arg12 : memref<!tpu.dma_semaphore, #tpu.memory_space<semaphore_mem>>) src(%dma_wait3A_459 : memref<16384x768xf32, #tpu.memory_space<hbm>>) dst(%dma_wait3A_454 : memref<16x768xf32, #tpu.memory_space<vmem>>)
    %dma_wait3A_460 = arith.constant 0 : i32
    %dma_wait3A_461 = arith.constant 768 : i32
    %dma_wait3A_462 = tpu.memref_slice %arg8[%dma_wait3A_460, %dma_wait3A_461] : memref<16x1536xf32, #tpu.memory_space<vmem>> -> memref<16x768xf32, #tpu.memory_space<vmem>>
    %dma_wait3A_463 = arith.constant 128 : i32
    %dma_wait3A_464 = tpu.memref_slice %arg7[%dma_wait3A_463] : memref<256xi32, #tpu.memory_space<vmem>> -> memref<16xi32, #tpu.memory_space<vmem>>
    %dma_wait3A_465 = arith.constant 0 : i32
    %dma_wait3A_466 = arith.constant 0 : i32
    %dma_wait3A_467 = tpu.memref_slice %arg2[%dma_wait3A_465, %dma_wait3A_466] : memref<16384x768xf32, #tpu.memory_space<hbm>> -> memref<16384x768xf32, #tpu.memory_space<hbm>>
    tpu.wait_indirect_dma semaphore(%arg12 : memref<!tpu.dma_semaphore, #tpu.memory_space<semaphore_mem>>) src(%dma_wait3A_467 : memref<16384x768xf32, #tpu.memory_space<hbm>>) dst(%dma_wait3A_462 : memref<16x768xf32, #tpu.memory_space<vmem>>)
    %add3A_468 = arith.constant 128 : i32
    %add3A_469 = arith.addi %sub3A_21, %add3A_468 : i32
    %dma_start3A_470 = arith.constant 0 : i32
    %dma_start3A_471 = tpu.memref_slice %arg5[%select_n3A, %add3A_469, %dma_start3A_470] : memref<4x2048x1536xf32, #tpu.memory_space<hbm>> -> memref<1x16x1536xf32, #tpu.memory_space<hbm>>
    %dma_start3A_472 = tpu.memref_squeeze %dma_start3A_471 : memref<1x16x1536xf32, #tpu.memory_space<hbm>> -> memref<16x1536xf32, #tpu.memory_space<hbm>>
    %dma_start3A_473 = arith.constant 0 : i32
    %dma_start3A_474 = tpu.memref_slice %arg5[%select_n3A, %add3A_469, %dma_start3A_473] : memref<4x2048x1536xf32, #tpu.memory_space<hbm>> -> memref<1x16x1536xf32, #tpu.memory_space<hbm>>
    %dma_start3A_475 = tpu.memref_squeeze %dma_start3A_474 : memref<1x16x1536xf32, #tpu.memory_space<hbm>> -> memref<16x1536xf32, #tpu.memory_space<hbm>>
    tpu.enqueue_dma source(%arg8 : memref<16x1536xf32, #tpu.memory_space<vmem>>) target(%dma_start3A_475 : memref<16x1536xf32, #tpu.memory_space<hbm>>) target_semaphore(%arg16 : memref<!tpu.dma_semaphore, #tpu.memory_space<semaphore_mem>>)
    %dma_wait3A_476 = arith.constant 0 : i32
    %dma_wait3A_477 = tpu.memref_slice %arg5[%select_n3A, %add3A_469, %dma_wait3A_476] : memref<4x2048x1536xf32, #tpu.memory_space<hbm>> -> memref<1x16x1536xf32, #tpu.memory_space<hbm>>
    %dma_wait3A_478 = tpu.memref_squeeze %dma_wait3A_477 : memref<1x16x1536xf32, #tpu.memory_space<hbm>> -> memref<16x1536xf32, #tpu.memory_space<hbm>>
    %dma_wait3A_479 = arith.constant 0 : i32
    %dma_wait3A_480 = tpu.memref_slice %arg5[%select_n3A, %add3A_469, %dma_wait3A_479] : memref<4x2048x1536xf32, #tpu.memory_space<hbm>> -> memref<1x16x1536xf32, #tpu.memory_space<hbm>>
    %dma_wait3A_481 = tpu.memref_squeeze %dma_wait3A_480 : memref<1x16x1536xf32, #tpu.memory_space<hbm>> -> memref<16x1536xf32, #tpu.memory_space<hbm>>
    tpu.wait_dma2 semaphore(%arg16 : memref<!tpu.dma_semaphore, #tpu.memory_space<semaphore_mem>>) src(%arg8 : memref<16x1536xf32, #tpu.memory_space<vmem>>) dst(%dma_wait3A_481 : memref<16x1536xf32, #tpu.memory_space<hbm>>)
    %dma_start3A_482 = arith.constant 0 : i32
    %dma_start3A_483 = arith.constant 0 : i32
    %dma_start3A_484 = tpu.memref_slice %arg8[%dma_start3A_482, %dma_start3A_483] : memref<16x1536xf32, #tpu.memory_space<vmem>> -> memref<16x768xf32, #tpu.memory_space<vmem>>
    %dma_start3A_485 = arith.constant 192 : i32
    %dma_start3A_486 = tpu.memref_slice %arg6[%dma_start3A_485] : memref<256xi32, #tpu.memory_space<vmem>> -> memref<16xi32, #tpu.memory_space<vmem>>
    %dma_start3A_487 = arith.constant 0 : i32
    %dma_start3A_488 = arith.constant 0 : i32
    %dma_start3A_489 = tpu.memref_slice %arg2[%dma_start3A_487, %dma_start3A_488] : memref<16384x768xf32, #tpu.memory_space<hbm>> -> memref<16384x768xf32, #tpu.memory_space<hbm>>
    tpu.enqueue_indirect_dma source(%dma_start3A_489 : memref<16384x768xf32, #tpu.memory_space<hbm>>) target(%dma_start3A_484 : memref<16x768xf32, #tpu.memory_space<vmem>>) offsets(%dma_start3A_486 : memref<16xi32, #tpu.memory_space<vmem>>) semaphore(%arg12 : memref<!tpu.dma_semaphore, #tpu.memory_space<semaphore_mem>>)
    %dma_start3A_490 = arith.constant 0 : i32
    %dma_start3A_491 = arith.constant 768 : i32
    %dma_start3A_492 = tpu.memref_slice %arg8[%dma_start3A_490, %dma_start3A_491] : memref<16x1536xf32, #tpu.memory_space<vmem>> -> memref<16x768xf32, #tpu.memory_space<vmem>>
    %dma_start3A_493 = arith.constant 192 : i32
    %dma_start3A_494 = tpu.memref_slice %arg7[%dma_start3A_493] : memref<256xi32, #tpu.memory_space<vmem>> -> memref<16xi32, #tpu.memory_space<vmem>>
    %dma_start3A_495 = arith.constant 0 : i32
    %dma_start3A_496 = arith.constant 0 : i32
    %dma_start3A_497 = tpu.memref_slice %arg2[%dma_start3A_495, %dma_start3A_496] : memref<16384x768xf32, #tpu.memory_space<hbm>> -> memref<16384x768xf32, #tpu.memory_space<hbm>>
    tpu.enqueue_indirect_dma source(%dma_start3A_497 : memref<16384x768xf32, #tpu.memory_space<hbm>>) target(%dma_start3A_492 : memref<16x768xf32, #tpu.memory_space<vmem>>) offsets(%dma_start3A_494 : memref<16xi32, #tpu.memory_space<vmem>>) semaphore(%arg12 : memref<!tpu.dma_semaphore, #tpu.memory_space<semaphore_mem>>)
    %dma_wait3A_498 = arith.constant 0 : i32
    %dma_wait3A_499 = arith.constant 0 : i32
    %dma_wait3A_500 = tpu.memref_slice %arg9[%dma_wait3A_498, %dma_wait3A_499] : memref<16x1536xf32, #tpu.memory_space<vmem>> -> memref<16x768xf32, #tpu.memory_space<vmem>>
    %dma_wait3A_501 = arith.constant 144 : i32
    %dma_wait3A_502 = tpu.memref_slice %arg6[%dma_wait3A_501] : memref<256xi32, #tpu.memory_space<vmem>> -> memref<16xi32, #tpu.memory_space<vmem>>
    %dma_wait3A_503 = arith.constant 0 : i32
    %dma_wait3A_504 = arith.constant 0 : i32
    %dma_wait3A_505 = tpu.memref_slice %arg2[%dma_wait3A_503, %dma_wait3A_504] : memref<16384x768xf32, #tpu.memory_space<hbm>> -> memref<16384x768xf32, #tpu.memory_space<hbm>>
    tpu.wait_indirect_dma semaphore(%arg13 : memref<!tpu.dma_semaphore, #tpu.memory_space<semaphore_mem>>) src(%dma_wait3A_505 : memref<16384x768xf32, #tpu.memory_space<hbm>>) dst(%dma_wait3A_500 : memref<16x768xf32, #tpu.memory_space<vmem>>)
    %dma_wait3A_506 = arith.constant 0 : i32
    %dma_wait3A_507 = arith.constant 768 : i32
    %dma_wait3A_508 = tpu.memref_slice %arg9[%dma_wait3A_506, %dma_wait3A_507] : memref<16x1536xf32, #tpu.memory_space<vmem>> -> memref<16x768xf32, #tpu.memory_space<vmem>>
    %dma_wait3A_509 = arith.constant 144 : i32
    %dma_wait3A_510 = tpu.memref_slice %arg7[%dma_wait3A_509] : memref<256xi32, #tpu.memory_space<vmem>> -> memref<16xi32, #tpu.memory_space<vmem>>
    %dma_wait3A_511 = arith.constant 0 : i32
    %dma_wait3A_512 = arith.constant 0 : i32
    %dma_wait3A_513 = tpu.memref_slice %arg2[%dma_wait3A_511, %dma_wait3A_512] : memref<16384x768xf32, #tpu.memory_space<hbm>> -> memref<16384x768xf32, #tpu.memory_space<hbm>>
    tpu.wait_indirect_dma semaphore(%arg13 : memref<!tpu.dma_semaphore, #tpu.memory_space<semaphore_mem>>) src(%dma_wait3A_513 : memref<16384x768xf32, #tpu.memory_space<hbm>>) dst(%dma_wait3A_508 : memref<16x768xf32, #tpu.memory_space<vmem>>)
    %add3A_514 = arith.constant 144 : i32
    %add3A_515 = arith.addi %sub3A_21, %add3A_514 : i32
    %dma_start3A_516 = arith.constant 0 : i32
    %dma_start3A_517 = tpu.memref_slice %arg5[%select_n3A, %add3A_515, %dma_start3A_516] : memref<4x2048x1536xf32, #tpu.memory_space<hbm>> -> memref<1x16x1536xf32, #tpu.memory_space<hbm>>
    %dma_start3A_518 = tpu.memref_squeeze %dma_start3A_517 : memref<1x16x1536xf32, #tpu.memory_space<hbm>> -> memref<16x1536xf32, #tpu.memory_space<hbm>>
    %dma_start3A_519 = arith.constant 0 : i32
    %dma_start3A_520 = tpu.memref_slice %arg5[%select_n3A, %add3A_515, %dma_start3A_519] : memref<4x2048x1536xf32, #tpu.memory_space<hbm>> -> memref<1x16x1536xf32, #tpu.memory_space<hbm>>
    %dma_start3A_521 = tpu.memref_squeeze %dma_start3A_520 : memref<1x16x1536xf32, #tpu.memory_space<hbm>> -> memref<16x1536xf32, #tpu.memory_space<hbm>>
    tpu.enqueue_dma source(%arg9 : memref<16x1536xf32, #tpu.memory_space<vmem>>) target(%dma_start3A_521 : memref<16x1536xf32, #tpu.memory_space<hbm>>) target_semaphore(%arg17 : memref<!tpu.dma_semaphore, #tpu.memory_space<semaphore_mem>>)
    %dma_wait3A_522 = arith.constant 0 : i32
    %dma_wait3A_523 = tpu.memref_slice %arg5[%select_n3A, %add3A_515, %dma_wait3A_522] : memref<4x2048x1536xf32, #tpu.memory_space<hbm>> -> memref<1x16x1536xf32, #tpu.memory_space<hbm>>
    %dma_wait3A_524 = tpu.memref_squeeze %dma_wait3A_523 : memref<1x16x1536xf32, #tpu.memory_space<hbm>> -> memref<16x1536xf32, #tpu.memory_space<hbm>>
    %dma_wait3A_525 = arith.constant 0 : i32
    %dma_wait3A_526 = tpu.memref_slice %arg5[%select_n3A, %add3A_515, %dma_wait3A_525] : memref<4x2048x1536xf32, #tpu.memory_space<hbm>> -> memref<1x16x1536xf32, #tpu.memory_space<hbm>>
    %dma_wait3A_527 = tpu.memref_squeeze %dma_wait3A_526 : memref<1x16x1536xf32, #tpu.memory_space<hbm>> -> memref<16x1536xf32, #tpu.memory_space<hbm>>
    tpu.wait_dma2 semaphore(%arg17 : memref<!tpu.dma_semaphore, #tpu.memory_space<semaphore_mem>>) src(%arg9 : memref<16x1536xf32, #tpu.memory_space<vmem>>) dst(%dma_wait3A_527 : memref<16x1536xf32, #tpu.memory_space<hbm>>)
    %dma_start3A_528 = arith.constant 0 : i32
    %dma_start3A_529 = arith.constant 0 : i32
    %dma_start3A_530 = tpu.memref_slice %arg9[%dma_start3A_528, %dma_start3A_529] : memref<16x1536xf32, #tpu.memory_space<vmem>> -> memref<16x768xf32, #tpu.memory_space<vmem>>
    %dma_start3A_531 = arith.constant 208 : i32
    %dma_start3A_532 = tpu.memref_slice %arg6[%dma_start3A_531] : memref<256xi32, #tpu.memory_space<vmem>> -> memref<16xi32, #tpu.memory_space<vmem>>
    %dma_start3A_533 = arith.constant 0 : i32
    %dma_start3A_534 = arith.constant 0 : i32
    %dma_start3A_535 = tpu.memref_slice %arg2[%dma_start3A_533, %dma_start3A_534] : memref<16384x768xf32, #tpu.memory_space<hbm>> -> memref<16384x768xf32, #tpu.memory_space<hbm>>
    tpu.enqueue_indirect_dma source(%dma_start3A_535 : memref<16384x768xf32, #tpu.memory_space<hbm>>) target(%dma_start3A_530 : memref<16x768xf32, #tpu.memory_space<vmem>>) offsets(%dma_start3A_532 : memref<16xi32, #tpu.memory_space<vmem>>) semaphore(%arg13 : memref<!tpu.dma_semaphore, #tpu.memory_space<semaphore_mem>>)
    %dma_start3A_536 = arith.constant 0 : i32
    %dma_start3A_537 = arith.constant 768 : i32
    %dma_start3A_538 = tpu.memref_slice %arg9[%dma_start3A_536, %dma_start3A_537] : memref<16x1536xf32, #tpu.memory_space<vmem>> -> memref<16x768xf32, #tpu.memory_space<vmem>>
    %dma_start3A_539 = arith.constant 208 : i32
    %dma_start3A_540 = tpu.memref_slice %arg7[%dma_start3A_539] : memref<256xi32, #tpu.memory_space<vmem>> -> memref<16xi32, #tpu.memory_space<vmem>>
    %dma_start3A_541 = arith.constant 0 : i32
    %dma_start3A_542 = arith.constant 0 : i32
    %dma_start3A_543 = tpu.memref_slice %arg2[%dma_start3A_541, %dma_start3A_542] : memref<16384x768xf32, #tpu.memory_space<hbm>> -> memref<16384x768xf32, #tpu.memory_space<hbm>>
    tpu.enqueue_indirect_dma source(%dma_start3A_543 : memref<16384x768xf32, #tpu.memory_space<hbm>>) target(%dma_start3A_538 : memref<16x768xf32, #tpu.memory_space<vmem>>) offsets(%dma_start3A_540 : memref<16xi32, #tpu.memory_space<vmem>>) semaphore(%arg13 : memref<!tpu.dma_semaphore, #tpu.memory_space<semaphore_mem>>)
    %dma_wait3A_544 = arith.constant 0 : i32
    %dma_wait3A_545 = arith.constant 0 : i32
    %dma_wait3A_546 = tpu.memref_slice %arg10[%dma_wait3A_544, %dma_wait3A_545] : memref<16x1536xf32, #tpu.memory_space<vmem>> -> memref<16x768xf32, #tpu.memory_space<vmem>>
    %dma_wait3A_547 = arith.constant 160 : i32
    %dma_wait3A_548 = tpu.memref_slice %arg6[%dma_wait3A_547] : memref<256xi32, #tpu.memory_space<vmem>> -> memref<16xi32, #tpu.memory_space<vmem>>
    %dma_wait3A_549 = arith.constant 0 : i32
    %dma_wait3A_550 = arith.constant 0 : i32
    %dma_wait3A_551 = tpu.memref_slice %arg2[%dma_wait3A_549, %dma_wait3A_550] : memref<16384x768xf32, #tpu.memory_space<hbm>> -> memref<16384x768xf32, #tpu.memory_space<hbm>>
    tpu.wait_indirect_dma semaphore(%arg14 : memref<!tpu.dma_semaphore, #tpu.memory_space<semaphore_mem>>) src(%dma_wait3A_551 : memref<16384x768xf32, #tpu.memory_space<hbm>>) dst(%dma_wait3A_546 : memref<16x768xf32, #tpu.memory_space<vmem>>)
    %dma_wait3A_552 = arith.constant 0 : i32
    %dma_wait3A_553 = arith.constant 768 : i32
    %dma_wait3A_554 = tpu.memref_slice %arg10[%dma_wait3A_552, %dma_wait3A_553] : memref<16x1536xf32, #tpu.memory_space<vmem>> -> memref<16x768xf32, #tpu.memory_space<vmem>>
    %dma_wait3A_555 = arith.constant 160 : i32
    %dma_wait3A_556 = tpu.memref_slice %arg7[%dma_wait3A_555] : memref<256xi32, #tpu.memory_space<vmem>> -> memref<16xi32, #tpu.memory_space<vmem>>
    %dma_wait3A_557 = arith.constant 0 : i32
    %dma_wait3A_558 = arith.constant 0 : i32
    %dma_wait3A_559 = tpu.memref_slice %arg2[%dma_wait3A_557, %dma_wait3A_558] : memref<16384x768xf32, #tpu.memory_space<hbm>> -> memref<16384x768xf32, #tpu.memory_space<hbm>>
    tpu.wait_indirect_dma semaphore(%arg14 : memref<!tpu.dma_semaphore, #tpu.memory_space<semaphore_mem>>) src(%dma_wait3A_559 : memref<16384x768xf32, #tpu.memory_space<hbm>>) dst(%dma_wait3A_554 : memref<16x768xf32, #tpu.memory_space<vmem>>)
    %add3A_560 = arith.constant 160 : i32
    %add3A_561 = arith.addi %sub3A_21, %add3A_560 : i32
    %dma_start3A_562 = arith.constant 0 : i32
    %dma_start3A_563 = tpu.memref_slice %arg5[%select_n3A, %add3A_561, %dma_start3A_562] : memref<4x2048x1536xf32, #tpu.memory_space<hbm>> -> memref<1x16x1536xf32, #tpu.memory_space<hbm>>
    %dma_start3A_564 = tpu.memref_squeeze %dma_start3A_563 : memref<1x16x1536xf32, #tpu.memory_space<hbm>> -> memref<16x1536xf32, #tpu.memory_space<hbm>>
    %dma_start3A_565 = arith.constant 0 : i32
    %dma_start3A_566 = tpu.memref_slice %arg5[%select_n3A, %add3A_561, %dma_start3A_565] : memref<4x2048x1536xf32, #tpu.memory_space<hbm>> -> memref<1x16x1536xf32, #tpu.memory_space<hbm>>
    %dma_start3A_567 = tpu.memref_squeeze %dma_start3A_566 : memref<1x16x1536xf32, #tpu.memory_space<hbm>> -> memref<16x1536xf32, #tpu.memory_space<hbm>>
    tpu.enqueue_dma source(%arg10 : memref<16x1536xf32, #tpu.memory_space<vmem>>) target(%dma_start3A_567 : memref<16x1536xf32, #tpu.memory_space<hbm>>) target_semaphore(%arg18 : memref<!tpu.dma_semaphore, #tpu.memory_space<semaphore_mem>>)
    %dma_wait3A_568 = arith.constant 0 : i32
    %dma_wait3A_569 = tpu.memref_slice %arg5[%select_n3A, %add3A_561, %dma_wait3A_568] : memref<4x2048x1536xf32, #tpu.memory_space<hbm>> -> memref<1x16x1536xf32, #tpu.memory_space<hbm>>
    %dma_wait3A_570 = tpu.memref_squeeze %dma_wait3A_569 : memref<1x16x1536xf32, #tpu.memory_space<hbm>> -> memref<16x1536xf32, #tpu.memory_space<hbm>>
    %dma_wait3A_571 = arith.constant 0 : i32
    %dma_wait3A_572 = tpu.memref_slice %arg5[%select_n3A, %add3A_561, %dma_wait3A_571] : memref<4x2048x1536xf32, #tpu.memory_space<hbm>> -> memref<1x16x1536xf32, #tpu.memory_space<hbm>>
    %dma_wait3A_573 = tpu.memref_squeeze %dma_wait3A_572 : memref<1x16x1536xf32, #tpu.memory_space<hbm>> -> memref<16x1536xf32, #tpu.memory_space<hbm>>
    tpu.wait_dma2 semaphore(%arg18 : memref<!tpu.dma_semaphore, #tpu.memory_space<semaphore_mem>>) src(%arg10 : memref<16x1536xf32, #tpu.memory_space<vmem>>) dst(%dma_wait3A_573 : memref<16x1536xf32, #tpu.memory_space<hbm>>)
    %dma_start3A_574 = arith.constant 0 : i32
    %dma_start3A_575 = arith.constant 0 : i32
    %dma_start3A_576 = tpu.memref_slice %arg10[%dma_start3A_574, %dma_start3A_575] : memref<16x1536xf32, #tpu.memory_space<vmem>> -> memref<16x768xf32, #tpu.memory_space<vmem>>
    %dma_start3A_577 = arith.constant 224 : i32
    %dma_start3A_578 = tpu.memref_slice %arg6[%dma_start3A_577] : memref<256xi32, #tpu.memory_space<vmem>> -> memref<16xi32, #tpu.memory_space<vmem>>
    %dma_start3A_579 = arith.constant 0 : i32
    %dma_start3A_580 = arith.constant 0 : i32
    %dma_start3A_581 = tpu.memref_slice %arg2[%dma_start3A_579, %dma_start3A_580] : memref<16384x768xf32, #tpu.memory_space<hbm>> -> memref<16384x768xf32, #tpu.memory_space<hbm>>
    tpu.enqueue_indirect_dma source(%dma_start3A_581 : memref<16384x768xf32, #tpu.memory_space<hbm>>) target(%dma_start3A_576 : memref<16x768xf32, #tpu.memory_space<vmem>>) offsets(%dma_start3A_578 : memref<16xi32, #tpu.memory_space<vmem>>) semaphore(%arg14 : memref<!tpu.dma_semaphore, #tpu.memory_space<semaphore_mem>>)
    %dma_start3A_582 = arith.constant 0 : i32
    %dma_start3A_583 = arith.constant 768 : i32
    %dma_start3A_584 = tpu.memref_slice %arg10[%dma_start3A_582, %dma_start3A_583] : memref<16x1536xf32, #tpu.memory_space<vmem>> -> memref<16x768xf32, #tpu.memory_space<vmem>>
    %dma_start3A_585 = arith.constant 224 : i32
    %dma_start3A_586 = tpu.memref_slice %arg7[%dma_start3A_585] : memref<256xi32, #tpu.memory_space<vmem>> -> memref<16xi32, #tpu.memory_space<vmem>>
    %dma_start3A_587 = arith.constant 0 : i32
    %dma_start3A_588 = arith.constant 0 : i32
    %dma_start3A_589 = tpu.memref_slice %arg2[%dma_start3A_587, %dma_start3A_588] : memref<16384x768xf32, #tpu.memory_space<hbm>> -> memref<16384x768xf32, #tpu.memory_space<hbm>>
    tpu.enqueue_indirect_dma source(%dma_start3A_589 : memref<16384x768xf32, #tpu.memory_space<hbm>>) target(%dma_start3A_584 : memref<16x768xf32, #tpu.memory_space<vmem>>) offsets(%dma_start3A_586 : memref<16xi32, #tpu.memory_space<vmem>>) semaphore(%arg14 : memref<!tpu.dma_semaphore, #tpu.memory_space<semaphore_mem>>)
    %dma_wait3A_590 = arith.constant 0 : i32
    %dma_wait3A_591 = arith.constant 0 : i32
    %dma_wait3A_592 = tpu.memref_slice %arg11[%dma_wait3A_590, %dma_wait3A_591] : memref<16x1536xf32, #tpu.memory_space<vmem>> -> memref<16x768xf32, #tpu.memory_space<vmem>>
    %dma_wait3A_593 = arith.constant 176 : i32
    %dma_wait3A_594 = tpu.memref_slice %arg6[%dma_wait3A_593] : memref<256xi32, #tpu.memory_space<vmem>> -> memref<16xi32, #tpu.memory_space<vmem>>
    %dma_wait3A_595 = arith.constant 0 : i32
    %dma_wait3A_596 = arith.constant 0 : i32
    %dma_wait3A_597 = tpu.memref_slice %arg2[%dma_wait3A_595, %dma_wait3A_596] : memref<16384x768xf32, #tpu.memory_space<hbm>> -> memref<16384x768xf32, #tpu.memory_space<hbm>>
    tpu.wait_indirect_dma semaphore(%arg15 : memref<!tpu.dma_semaphore, #tpu.memory_space<semaphore_mem>>) src(%dma_wait3A_597 : memref<16384x768xf32, #tpu.memory_space<hbm>>) dst(%dma_wait3A_592 : memref<16x768xf32, #tpu.memory_space<vmem>>)
    %dma_wait3A_598 = arith.constant 0 : i32
    %dma_wait3A_599 = arith.constant 768 : i32
    %dma_wait3A_600 = tpu.memref_slice %arg11[%dma_wait3A_598, %dma_wait3A_599] : memref<16x1536xf32, #tpu.memory_space<vmem>> -> memref<16x768xf32, #tpu.memory_space<vmem>>
    %dma_wait3A_601 = arith.constant 176 : i32
    %dma_wait3A_602 = tpu.memref_slice %arg7[%dma_wait3A_601] : memref<256xi32, #tpu.memory_space<vmem>> -> memref<16xi32, #tpu.memory_space<vmem>>
    %dma_wait3A_603 = arith.constant 0 : i32
    %dma_wait3A_604 = arith.constant 0 : i32
    %dma_wait3A_605 = tpu.memref_slice %arg2[%dma_wait3A_603, %dma_wait3A_604] : memref<16384x768xf32, #tpu.memory_space<hbm>> -> memref<16384x768xf32, #tpu.memory_space<hbm>>
    tpu.wait_indirect_dma semaphore(%arg15 : memref<!tpu.dma_semaphore, #tpu.memory_space<semaphore_mem>>) src(%dma_wait3A_605 : memref<16384x768xf32, #tpu.memory_space<hbm>>) dst(%dma_wait3A_600 : memref<16x768xf32, #tpu.memory_space<vmem>>)
    %add3A_606 = arith.constant 176 : i32
    %add3A_607 = arith.addi %sub3A_21, %add3A_606 : i32
    %dma_start3A_608 = arith.constant 0 : i32
    %dma_start3A_609 = tpu.memref_slice %arg5[%select_n3A, %add3A_607, %dma_start3A_608] : memref<4x2048x1536xf32, #tpu.memory_space<hbm>> -> memref<1x16x1536xf32, #tpu.memory_space<hbm>>
    %dma_start3A_610 = tpu.memref_squeeze %dma_start3A_609 : memref<1x16x1536xf32, #tpu.memory_space<hbm>> -> memref<16x1536xf32, #tpu.memory_space<hbm>>
    %dma_start3A_611 = arith.constant 0 : i32
    %dma_start3A_612 = tpu.memref_slice %arg5[%select_n3A, %add3A_607, %dma_start3A_611] : memref<4x2048x1536xf32, #tpu.memory_space<hbm>> -> memref<1x16x1536xf32, #tpu.memory_space<hbm>>
    %dma_start3A_613 = tpu.memref_squeeze %dma_start3A_612 : memref<1x16x1536xf32, #tpu.memory_space<hbm>> -> memref<16x1536xf32, #tpu.memory_space<hbm>>
    tpu.enqueue_dma source(%arg11 : memref<16x1536xf32, #tpu.memory_space<vmem>>) target(%dma_start3A_613 : memref<16x1536xf32, #tpu.memory_space<hbm>>) target_semaphore(%arg19 : memref<!tpu.dma_semaphore, #tpu.memory_space<semaphore_mem>>)
    %dma_wait3A_614 = arith.constant 0 : i32
    %dma_wait3A_615 = tpu.memref_slice %arg5[%select_n3A, %add3A_607, %dma_wait3A_614] : memref<4x2048x1536xf32, #tpu.memory_space<hbm>> -> memref<1x16x1536xf32, #tpu.memory_space<hbm>>
    %dma_wait3A_616 = tpu.memref_squeeze %dma_wait3A_615 : memref<1x16x1536xf32, #tpu.memory_space<hbm>> -> memref<16x1536xf32, #tpu.memory_space<hbm>>
    %dma_wait3A_617 = arith.constant 0 : i32
    %dma_wait3A_618 = tpu.memref_slice %arg5[%select_n3A, %add3A_607, %dma_wait3A_617] : memref<4x2048x1536xf32, #tpu.memory_space<hbm>> -> memref<1x16x1536xf32, #tpu.memory_space<hbm>>
    %dma_wait3A_619 = tpu.memref_squeeze %dma_wait3A_618 : memref<1x16x1536xf32, #tpu.memory_space<hbm>> -> memref<16x1536xf32, #tpu.memory_space<hbm>>
    tpu.wait_dma2 semaphore(%arg19 : memref<!tpu.dma_semaphore, #tpu.memory_space<semaphore_mem>>) src(%arg11 : memref<16x1536xf32, #tpu.memory_space<vmem>>) dst(%dma_wait3A_619 : memref<16x1536xf32, #tpu.memory_space<hbm>>)
    %dma_start3A_620 = arith.constant 0 : i32
    %dma_start3A_621 = arith.constant 0 : i32
    %dma_start3A_622 = tpu.memref_slice %arg11[%dma_start3A_620, %dma_start3A_621] : memref<16x1536xf32, #tpu.memory_space<vmem>> -> memref<16x768xf32, #tpu.memory_space<vmem>>
    %dma_start3A_623 = arith.constant 240 : i32
    %dma_start3A_624 = tpu.memref_slice %arg6[%dma_start3A_623] : memref<256xi32, #tpu.memory_space<vmem>> -> memref<16xi32, #tpu.memory_space<vmem>>
    %dma_start3A_625 = arith.constant 0 : i32
    %dma_start3A_626 = arith.constant 0 : i32
    %dma_start3A_627 = tpu.memref_slice %arg2[%dma_start3A_625, %dma_start3A_626] : memref<16384x768xf32, #tpu.memory_space<hbm>> -> memref<16384x768xf32, #tpu.memory_space<hbm>>
    tpu.enqueue_indirect_dma source(%dma_start3A_627 : memref<16384x768xf32, #tpu.memory_space<hbm>>) target(%dma_start3A_622 : memref<16x768xf32, #tpu.memory_space<vmem>>) offsets(%dma_start3A_624 : memref<16xi32, #tpu.memory_space<vmem>>) semaphore(%arg15 : memref<!tpu.dma_semaphore, #tpu.memory_space<semaphore_mem>>)
    %dma_start3A_628 = arith.constant 0 : i32
    %dma_start3A_629 = arith.constant 768 : i32
    %dma_start3A_630 = tpu.memref_slice %arg11[%dma_start3A_628, %dma_start3A_629] : memref<16x1536xf32, #tpu.memory_space<vmem>> -> memref<16x768xf32, #tpu.memory_space<vmem>>
    %dma_start3A_631 = arith.constant 240 : i32
    %dma_start3A_632 = tpu.memref_slice %arg7[%dma_start3A_631] : memref<256xi32, #tpu.memory_space<vmem>> -> memref<16xi32, #tpu.memory_space<vmem>>
    %dma_start3A_633 = arith.constant 0 : i32
    %dma_start3A_634 = arith.constant 0 : i32
    %dma_start3A_635 = tpu.memref_slice %arg2[%dma_start3A_633, %dma_start3A_634] : memref<16384x768xf32, #tpu.memory_space<hbm>> -> memref<16384x768xf32, #tpu.memory_space<hbm>>
    tpu.enqueue_indirect_dma source(%dma_start3A_635 : memref<16384x768xf32, #tpu.memory_space<hbm>>) target(%dma_start3A_630 : memref<16x768xf32, #tpu.memory_space<vmem>>) offsets(%dma_start3A_632 : memref<16xi32, #tpu.memory_space<vmem>>) semaphore(%arg15 : memref<!tpu.dma_semaphore, #tpu.memory_space<semaphore_mem>>)
    %dma_wait3A_636 = arith.constant 0 : i32
    %dma_wait3A_637 = arith.constant 0 : i32
    %dma_wait3A_638 = tpu.memref_slice %arg8[%dma_wait3A_636, %dma_wait3A_637] : memref<16x1536xf32, #tpu.memory_space<vmem>> -> memref<16x768xf32, #tpu.memory_space<vmem>>
    %dma_wait3A_639 = arith.constant 192 : i32
    %dma_wait3A_640 = tpu.memref_slice %arg6[%dma_wait3A_639] : memref<256xi32, #tpu.memory_space<vmem>> -> memref<16xi32, #tpu.memory_space<vmem>>
    %dma_wait3A_641 = arith.constant 0 : i32
    %dma_wait3A_642 = arith.constant 0 : i32
    %dma_wait3A_643 = tpu.memref_slice %arg2[%dma_wait3A_641, %dma_wait3A_642] : memref<16384x768xf32, #tpu.memory_space<hbm>> -> memref<16384x768xf32, #tpu.memory_space<hbm>>
    tpu.wait_indirect_dma semaphore(%arg12 : memref<!tpu.dma_semaphore, #tpu.memory_space<semaphore_mem>>) src(%dma_wait3A_643 : memref<16384x768xf32, #tpu.memory_space<hbm>>) dst(%dma_wait3A_638 : memref<16x768xf32, #tpu.memory_space<vmem>>)
    %dma_wait3A_644 = arith.constant 0 : i32
    %dma_wait3A_645 = arith.constant 768 : i32
    %dma_wait3A_646 = tpu.memref_slice %arg8[%dma_wait3A_644, %dma_wait3A_645] : memref<16x1536xf32, #tpu.memory_space<vmem>> -> memref<16x768xf32, #tpu.memory_space<vmem>>
    %dma_wait3A_647 = arith.constant 192 : i32
    %dma_wait3A_648 = tpu.memref_slice %arg7[%dma_wait3A_647] : memref<256xi32, #tpu.memory_space<vmem>> -> memref<16xi32, #tpu.memory_space<vmem>>
    %dma_wait3A_649 = arith.constant 0 : i32
    %dma_wait3A_650 = arith.constant 0 : i32
    %dma_wait3A_651 = tpu.memref_slice %arg2[%dma_wait3A_649, %dma_wait3A_650] : memref<16384x768xf32, #tpu.memory_space<hbm>> -> memref<16384x768xf32, #tpu.memory_space<hbm>>
    tpu.wait_indirect_dma semaphore(%arg12 : memref<!tpu.dma_semaphore, #tpu.memory_space<semaphore_mem>>) src(%dma_wait3A_651 : memref<16384x768xf32, #tpu.memory_space<hbm>>) dst(%dma_wait3A_646 : memref<16x768xf32, #tpu.memory_space<vmem>>)
    %add3A_652 = arith.constant 192 : i32
    %add3A_653 = arith.addi %sub3A_21, %add3A_652 : i32
    %dma_start3A_654 = arith.constant 0 : i32
    %dma_start3A_655 = tpu.memref_slice %arg5[%select_n3A, %add3A_653, %dma_start3A_654] : memref<4x2048x1536xf32, #tpu.memory_space<hbm>> -> memref<1x16x1536xf32, #tpu.memory_space<hbm>>
    %dma_start3A_656 = tpu.memref_squeeze %dma_start3A_655 : memref<1x16x1536xf32, #tpu.memory_space<hbm>> -> memref<16x1536xf32, #tpu.memory_space<hbm>>
    %dma_start3A_657 = arith.constant 0 : i32
    %dma_start3A_658 = tpu.memref_slice %arg5[%select_n3A, %add3A_653, %dma_start3A_657] : memref<4x2048x1536xf32, #tpu.memory_space<hbm>> -> memref<1x16x1536xf32, #tpu.memory_space<hbm>>
    %dma_start3A_659 = tpu.memref_squeeze %dma_start3A_658 : memref<1x16x1536xf32, #tpu.memory_space<hbm>> -> memref<16x1536xf32, #tpu.memory_space<hbm>>
    tpu.enqueue_dma source(%arg8 : memref<16x1536xf32, #tpu.memory_space<vmem>>) target(%dma_start3A_659 : memref<16x1536xf32, #tpu.memory_space<hbm>>) target_semaphore(%arg16 : memref<!tpu.dma_semaphore, #tpu.memory_space<semaphore_mem>>)
    %dma_wait3A_660 = arith.constant 0 : i32
    %dma_wait3A_661 = arith.constant 0 : i32
    %dma_wait3A_662 = tpu.memref_slice %arg9[%dma_wait3A_660, %dma_wait3A_661] : memref<16x1536xf32, #tpu.memory_space<vmem>> -> memref<16x768xf32, #tpu.memory_space<vmem>>
    %dma_wait3A_663 = arith.constant 208 : i32
    %dma_wait3A_664 = tpu.memref_slice %arg6[%dma_wait3A_663] : memref<256xi32, #tpu.memory_space<vmem>> -> memref<16xi32, #tpu.memory_space<vmem>>
    %dma_wait3A_665 = arith.constant 0 : i32
    %dma_wait3A_666 = arith.constant 0 : i32
    %dma_wait3A_667 = tpu.memref_slice %arg2[%dma_wait3A_665, %dma_wait3A_666] : memref<16384x768xf32, #tpu.memory_space<hbm>> -> memref<16384x768xf32, #tpu.memory_space<hbm>>
    tpu.wait_indirect_dma semaphore(%arg13 : memref<!tpu.dma_semaphore, #tpu.memory_space<semaphore_mem>>) src(%dma_wait3A_667 : memref<16384x768xf32, #tpu.memory_space<hbm>>) dst(%dma_wait3A_662 : memref<16x768xf32, #tpu.memory_space<vmem>>)
    %dma_wait3A_668 = arith.constant 0 : i32
    %dma_wait3A_669 = arith.constant 768 : i32
    %dma_wait3A_670 = tpu.memref_slice %arg9[%dma_wait3A_668, %dma_wait3A_669] : memref<16x1536xf32, #tpu.memory_space<vmem>> -> memref<16x768xf32, #tpu.memory_space<vmem>>
    %dma_wait3A_671 = arith.constant 208 : i32
    %dma_wait3A_672 = tpu.memref_slice %arg7[%dma_wait3A_671] : memref<256xi32, #tpu.memory_space<vmem>> -> memref<16xi32, #tpu.memory_space<vmem>>
    %dma_wait3A_673 = arith.constant 0 : i32
    %dma_wait3A_674 = arith.constant 0 : i32
    %dma_wait3A_675 = tpu.memref_slice %arg2[%dma_wait3A_673, %dma_wait3A_674] : memref<16384x768xf32, #tpu.memory_space<hbm>> -> memref<16384x768xf32, #tpu.memory_space<hbm>>
    tpu.wait_indirect_dma semaphore(%arg13 : memref<!tpu.dma_semaphore, #tpu.memory_space<semaphore_mem>>) src(%dma_wait3A_675 : memref<16384x768xf32, #tpu.memory_space<hbm>>) dst(%dma_wait3A_670 : memref<16x768xf32, #tpu.memory_space<vmem>>)
    %add3A_676 = arith.constant 208 : i32
    %add3A_677 = arith.addi %sub3A_21, %add3A_676 : i32
    %dma_start3A_678 = arith.constant 0 : i32
    %dma_start3A_679 = tpu.memref_slice %arg5[%select_n3A, %add3A_677, %dma_start3A_678] : memref<4x2048x1536xf32, #tpu.memory_space<hbm>> -> memref<1x16x1536xf32, #tpu.memory_space<hbm>>
    %dma_start3A_680 = tpu.memref_squeeze %dma_start3A_679 : memref<1x16x1536xf32, #tpu.memory_space<hbm>> -> memref<16x1536xf32, #tpu.memory_space<hbm>>
    %dma_start3A_681 = arith.constant 0 : i32
    %dma_start3A_682 = tpu.memref_slice %arg5[%select_n3A, %add3A_677, %dma_start3A_681] : memref<4x2048x1536xf32, #tpu.memory_space<hbm>> -> memref<1x16x1536xf32, #tpu.memory_space<hbm>>
    %dma_start3A_683 = tpu.memref_squeeze %dma_start3A_682 : memref<1x16x1536xf32, #tpu.memory_space<hbm>> -> memref<16x1536xf32, #tpu.memory_space<hbm>>
    tpu.enqueue_dma source(%arg9 : memref<16x1536xf32, #tpu.memory_space<vmem>>) target(%dma_start3A_683 : memref<16x1536xf32, #tpu.memory_space<hbm>>) target_semaphore(%arg17 : memref<!tpu.dma_semaphore, #tpu.memory_space<semaphore_mem>>)
    %dma_wait3A_684 = arith.constant 0 : i32
    %dma_wait3A_685 = arith.constant 0 : i32
    %dma_wait3A_686 = tpu.memref_slice %arg10[%dma_wait3A_684, %dma_wait3A_685] : memref<16x1536xf32, #tpu.memory_space<vmem>> -> memref<16x768xf32, #tpu.memory_space<vmem>>
    %dma_wait3A_687 = arith.constant 224 : i32
    %dma_wait3A_688 = tpu.memref_slice %arg6[%dma_wait3A_687] : memref<256xi32, #tpu.memory_space<vmem>> -> memref<16xi32, #tpu.memory_space<vmem>>
    %dma_wait3A_689 = arith.constant 0 : i32
    %dma_wait3A_690 = arith.constant 0 : i32
    %dma_wait3A_691 = tpu.memref_slice %arg2[%dma_wait3A_689, %dma_wait3A_690] : memref<16384x768xf32, #tpu.memory_space<hbm>> -> memref<16384x768xf32, #tpu.memory_space<hbm>>
    tpu.wait_indirect_dma semaphore(%arg14 : memref<!tpu.dma_semaphore, #tpu.memory_space<semaphore_mem>>) src(%dma_wait3A_691 : memref<16384x768xf32, #tpu.memory_space<hbm>>) dst(%dma_wait3A_686 : memref<16x768xf32, #tpu.memory_space<vmem>>)
    %dma_wait3A_692 = arith.constant 0 : i32
    %dma_wait3A_693 = arith.constant 768 : i32
    %dma_wait3A_694 = tpu.memref_slice %arg10[%dma_wait3A_692, %dma_wait3A_693] : memref<16x1536xf32, #tpu.memory_space<vmem>> -> memref<16x768xf32, #tpu.memory_space<vmem>>
    %dma_wait3A_695 = arith.constant 224 : i32
    %dma_wait3A_696 = tpu.memref_slice %arg7[%dma_wait3A_695] : memref<256xi32, #tpu.memory_space<vmem>> -> memref<16xi32, #tpu.memory_space<vmem>>
    %dma_wait3A_697 = arith.constant 0 : i32
    %dma_wait3A_698 = arith.constant 0 : i32
    %dma_wait3A_699 = tpu.memref_slice %arg2[%dma_wait3A_697, %dma_wait3A_698] : memref<16384x768xf32, #tpu.memory_space<hbm>> -> memref<16384x768xf32, #tpu.memory_space<hbm>>
    tpu.wait_indirect_dma semaphore(%arg14 : memref<!tpu.dma_semaphore, #tpu.memory_space<semaphore_mem>>) src(%dma_wait3A_699 : memref<16384x768xf32, #tpu.memory_space<hbm>>) dst(%dma_wait3A_694 : memref<16x768xf32, #tpu.memory_space<vmem>>)
    %add3A_700 = arith.constant 224 : i32
    %add3A_701 = arith.addi %sub3A_21, %add3A_700 : i32
    %dma_start3A_702 = arith.constant 0 : i32
    %dma_start3A_703 = tpu.memref_slice %arg5[%select_n3A, %add3A_701, %dma_start3A_702] : memref<4x2048x1536xf32, #tpu.memory_space<hbm>> -> memref<1x16x1536xf32, #tpu.memory_space<hbm>>
    %dma_start3A_704 = tpu.memref_squeeze %dma_start3A_703 : memref<1x16x1536xf32, #tpu.memory_space<hbm>> -> memref<16x1536xf32, #tpu.memory_space<hbm>>
    %dma_start3A_705 = arith.constant 0 : i32
    %dma_start3A_706 = tpu.memref_slice %arg5[%select_n3A, %add3A_701, %dma_start3A_705] : memref<4x2048x1536xf32, #tpu.memory_space<hbm>> -> memref<1x16x1536xf32, #tpu.memory_space<hbm>>
    %dma_start3A_707 = tpu.memref_squeeze %dma_start3A_706 : memref<1x16x1536xf32, #tpu.memory_space<hbm>> -> memref<16x1536xf32, #tpu.memory_space<hbm>>
    tpu.enqueue_dma source(%arg10 : memref<16x1536xf32, #tpu.memory_space<vmem>>) target(%dma_start3A_707 : memref<16x1536xf32, #tpu.memory_space<hbm>>) target_semaphore(%arg18 : memref<!tpu.dma_semaphore, #tpu.memory_space<semaphore_mem>>)
    %dma_wait3A_708 = arith.constant 0 : i32
    %dma_wait3A_709 = arith.constant 0 : i32
    %dma_wait3A_710 = tpu.memref_slice %arg11[%dma_wait3A_708, %dma_wait3A_709] : memref<16x1536xf32, #tpu.memory_space<vmem>> -> memref<16x768xf32, #tpu.memory_space<vmem>>
    %dma_wait3A_711 = arith.constant 240 : i32
    %dma_wait3A_712 = tpu.memref_slice %arg6[%dma_wait3A_711] : memref<256xi32, #tpu.memory_space<vmem>> -> memref<16xi32, #tpu.memory_space<vmem>>
    %dma_wait3A_713 = arith.constant 0 : i32
    %dma_wait3A_714 = arith.constant 0 : i32
    %dma_wait3A_715 = tpu.memref_slice %arg2[%dma_wait3A_713, %dma_wait3A_714] : memref<16384x768xf32, #tpu.memory_space<hbm>> -> memref<16384x768xf32, #tpu.memory_space<hbm>>
    tpu.wait_indirect_dma semaphore(%arg15 : memref<!tpu.dma_semaphore, #tpu.memory_space<semaphore_mem>>) src(%dma_wait3A_715 : memref<16384x768xf32, #tpu.memory_space<hbm>>) dst(%dma_wait3A_710 : memref<16x768xf32, #tpu.memory_space<vmem>>)
    %dma_wait3A_716 = arith.constant 0 : i32
    %dma_wait3A_717 = arith.constant 768 : i32
    %dma_wait3A_718 = tpu.memref_slice %arg11[%dma_wait3A_716, %dma_wait3A_717] : memref<16x1536xf32, #tpu.memory_space<vmem>> -> memref<16x768xf32, #tpu.memory_space<vmem>>
    %dma_wait3A_719 = arith.constant 240 : i32
    %dma_wait3A_720 = tpu.memref_slice %arg7[%dma_wait3A_719] : memref<256xi32, #tpu.memory_space<vmem>> -> memref<16xi32, #tpu.memory_space<vmem>>
    %dma_wait3A_721 = arith.constant 0 : i32
    %dma_wait3A_722 = arith.constant 0 : i32
    %dma_wait3A_723 = tpu.memref_slice %arg2[%dma_wait3A_721, %dma_wait3A_722] : memref<16384x768xf32, #tpu.memory_space<hbm>> -> memref<16384x768xf32, #tpu.memory_space<hbm>>
    tpu.wait_indirect_dma semaphore(%arg15 : memref<!tpu.dma_semaphore, #tpu.memory_space<semaphore_mem>>) src(%dma_wait3A_723 : memref<16384x768xf32, #tpu.memory_space<hbm>>) dst(%dma_wait3A_718 : memref<16x768xf32, #tpu.memory_space<vmem>>)
    %add3A_724 = arith.constant 240 : i32
    %add3A_725 = arith.addi %sub3A_21, %add3A_724 : i32
    %dma_start3A_726 = arith.constant 0 : i32
    %dma_start3A_727 = tpu.memref_slice %arg5[%select_n3A, %add3A_725, %dma_start3A_726] : memref<4x2048x1536xf32, #tpu.memory_space<hbm>> -> memref<1x16x1536xf32, #tpu.memory_space<hbm>>
    %dma_start3A_728 = tpu.memref_squeeze %dma_start3A_727 : memref<1x16x1536xf32, #tpu.memory_space<hbm>> -> memref<16x1536xf32, #tpu.memory_space<hbm>>
    %dma_start3A_729 = arith.constant 0 : i32
    %dma_start3A_730 = tpu.memref_slice %arg5[%select_n3A, %add3A_725, %dma_start3A_729] : memref<4x2048x1536xf32, #tpu.memory_space<hbm>> -> memref<1x16x1536xf32, #tpu.memory_space<hbm>>
    %dma_start3A_731 = tpu.memref_squeeze %dma_start3A_730 : memref<1x16x1536xf32, #tpu.memory_space<hbm>> -> memref<16x1536xf32, #tpu.memory_space<hbm>>
    tpu.enqueue_dma source(%arg11 : memref<16x1536xf32, #tpu.memory_space<vmem>>) target(%dma_start3A_731 : memref<16x1536xf32, #tpu.memory_space<hbm>>) target_semaphore(%arg19 : memref<!tpu.dma_semaphore, #tpu.memory_space<semaphore_mem>>)
    %dma_wait3A_732 = arith.constant 0 : i32
    %dma_wait3A_733 = tpu.memref_slice %arg5[%select_n3A, %add3A_653, %dma_wait3A_732] : memref<4x2048x1536xf32, #tpu.memory_space<hbm>> -> memref<1x16x1536xf32, #tpu.memory_space<hbm>>
    %dma_wait3A_734 = tpu.memref_squeeze %dma_wait3A_733 : memref<1x16x1536xf32, #tpu.memory_space<hbm>> -> memref<16x1536xf32, #tpu.memory_space<hbm>>
    %dma_wait3A_735 = arith.constant 0 : i32
    %dma_wait3A_736 = tpu.memref_slice %arg5[%select_n3A, %add3A_653, %dma_wait3A_735] : memref<4x2048x1536xf32, #tpu.memory_space<hbm>> -> memref<1x16x1536xf32, #tpu.memory_space<hbm>>
    %dma_wait3A_737 = tpu.memref_squeeze %dma_wait3A_736 : memref<1x16x1536xf32, #tpu.memory_space<hbm>> -> memref<16x1536xf32, #tpu.memory_space<hbm>>
    tpu.wait_dma2 semaphore(%arg16 : memref<!tpu.dma_semaphore, #tpu.memory_space<semaphore_mem>>) src(%arg8 : memref<16x1536xf32, #tpu.memory_space<vmem>>) dst(%dma_wait3A_737 : memref<16x1536xf32, #tpu.memory_space<hbm>>)
    %dma_wait3A_738 = arith.constant 0 : i32
    %dma_wait3A_739 = tpu.memref_slice %arg5[%select_n3A, %add3A_677, %dma_wait3A_738] : memref<4x2048x1536xf32, #tpu.memory_space<hbm>> -> memref<1x16x1536xf32, #tpu.memory_space<hbm>>
    %dma_wait3A_740 = tpu.memref_squeeze %dma_wait3A_739 : memref<1x16x1536xf32, #tpu.memory_space<hbm>> -> memref<16x1536xf32, #tpu.memory_space<hbm>>
    %dma_wait3A_741 = arith.constant 0 : i32
    %dma_wait3A_742 = tpu.memref_slice %arg5[%select_n3A, %add3A_677, %dma_wait3A_741] : memref<4x2048x1536xf32, #tpu.memory_space<hbm>> -> memref<1x16x1536xf32, #tpu.memory_space<hbm>>
    %dma_wait3A_743 = tpu.memref_squeeze %dma_wait3A_742 : memref<1x16x1536xf32, #tpu.memory_space<hbm>> -> memref<16x1536xf32, #tpu.memory_space<hbm>>
    tpu.wait_dma2 semaphore(%arg17 : memref<!tpu.dma_semaphore, #tpu.memory_space<semaphore_mem>>) src(%arg9 : memref<16x1536xf32, #tpu.memory_space<vmem>>) dst(%dma_wait3A_743 : memref<16x1536xf32, #tpu.memory_space<hbm>>)
    %dma_wait3A_744 = arith.constant 0 : i32
    %dma_wait3A_745 = tpu.memref_slice %arg5[%select_n3A, %add3A_701, %dma_wait3A_744] : memref<4x2048x1536xf32, #tpu.memory_space<hbm>> -> memref<1x16x1536xf32, #tpu.memory_space<hbm>>
    %dma_wait3A_746 = tpu.memref_squeeze %dma_wait3A_745 : memref<1x16x1536xf32, #tpu.memory_space<hbm>> -> memref<16x1536xf32, #tpu.memory_space<hbm>>
    %dma_wait3A_747 = arith.constant 0 : i32
    %dma_wait3A_748 = tpu.memref_slice %arg5[%select_n3A, %add3A_701, %dma_wait3A_747] : memref<4x2048x1536xf32, #tpu.memory_space<hbm>> -> memref<1x16x1536xf32, #tpu.memory_space<hbm>>
    %dma_wait3A_749 = tpu.memref_squeeze %dma_wait3A_748 : memref<1x16x1536xf32, #tpu.memory_space<hbm>> -> memref<16x1536xf32, #tpu.memory_space<hbm>>
    tpu.wait_dma2 semaphore(%arg18 : memref<!tpu.dma_semaphore, #tpu.memory_space<semaphore_mem>>) src(%arg10 : memref<16x1536xf32, #tpu.memory_space<vmem>>) dst(%dma_wait3A_749 : memref<16x1536xf32, #tpu.memory_space<hbm>>)
    %dma_wait3A_750 = arith.constant 0 : i32
    %dma_wait3A_751 = tpu.memref_slice %arg5[%select_n3A, %add3A_725, %dma_wait3A_750] : memref<4x2048x1536xf32, #tpu.memory_space<hbm>> -> memref<1x16x1536xf32, #tpu.memory_space<hbm>>
    %dma_wait3A_752 = tpu.memref_squeeze %dma_wait3A_751 : memref<1x16x1536xf32, #tpu.memory_space<hbm>> -> memref<16x1536xf32, #tpu.memory_space<hbm>>
    %dma_wait3A_753 = arith.constant 0 : i32
    %dma_wait3A_754 = tpu.memref_slice %arg5[%select_n3A, %add3A_725, %dma_wait3A_753] : memref<4x2048x1536xf32, #tpu.memory_space<hbm>> -> memref<1x16x1536xf32, #tpu.memory_space<hbm>>
    %dma_wait3A_755 = tpu.memref_squeeze %dma_wait3A_754 : memref<1x16x1536xf32, #tpu.memory_space<hbm>> -> memref<16x1536xf32, #tpu.memory_space<hbm>>
    tpu.wait_dma2 semaphore(%arg19 : memref<!tpu.dma_semaphore, #tpu.memory_space<semaphore_mem>>) src(%arg11 : memref<16x1536xf32, #tpu.memory_space<vmem>>) dst(%dma_wait3A_755 : memref<16x1536xf32, #tpu.memory_space<hbm>>)
    return
  }
}

</mosaic_0001>

<sc_bundles>
// kernel: kernel.3.cloned.1.call-start
scs
__scs_entry_jumppad:
0x0: {  	(pc) =	sbr.rel $0x88, $3  }
0x1: {  	(tag) =	ssettag $0x0;
	lr =	simm.s32 $0x1  }
0x2: {  	[smem:$0x3F9F] =	sst lr;
	_ =	strace $0xD0000000  }
0x3: {  	_ = 	snop  }
0x4: {  	_ = 	snop  }
0x5: {  	_ = 	snop  }
0x6: {  	_ = 	snop  }
0x7: {  	_ = 	snop  }
__scs_overlays_trampoline_lowered:
0x8: {  	[smem:$0x3FAE] =	sst s0  }
0x9: {  	[smem:$0x3FAF] =	sst s1  }
0xa: {  	[smem:$0x3FB0] =	sst s2  }
0xb: {  	[smem:$0x3FB1] =	sst s3  }
0xc: {  	[smem:$0x3FB2] =	sst s4  }
0xd: {  	[smem:$0x3FB3] =	sst s5  }
0xe: {  	[smem:$0x3FB4] =	sst s6  }
0xf: {  	[smem:$0x3FB5] =	sst s7  }
0x10: {  	[smem:$0x3FB6] =	sst s8  }
0x11: {  	[smem:$0x3FB7] =	sst s9;
	s0 =	simm.s32 @!p0 $0x0  }
0x12: {  	s1 =	sld [smem:$0x3F9D];
	s0 =	simm.s32 @p0 $0x1  }
0x13: {  	[smem:$0x3FB8] =	sst s0;
	s0 =	simm.s32 @!p1 $0x0  }
0x14: {  	s2 =	sld [smem:$0x3F9C];
	s0 =	simm.s32 @p1 $0x1  }
0x15: {  	[smem:$0x3FB9] =	sst s0;
	s0 =	simm.s32 @!p2 $0x0  }
0x16: {  	s3 =	sld [smem:$0x3FDB];
	s0 =	simm.s32 @p2 $0x1  }
0x17: {  	s4 =	simm.s32 $0x1BF5;
	[smem:$0x3FBB] =	sst s0  }
0x18: {  	s0 =	sld [smem:$0x3F9E];
	_ =	swait.ge [sflag:s4], $0x0  }
0x19: {  	s7 =	sld [smem:$0x3F9F]  }
0x1a: {  	s8 =	sadd.s32 $0xFFFFE003, lr  }
0x1b: {  	s9 =	sadd.s32 $0xFFFFFEF7, lr;
	s5 =	simm.s32 $0xFFFFFFFF;
	p2 =	slt.u32 s8, $0xFFFFF086  }
0x1c: {  	p1 =	slt.u32 s9, $0xF7A;
	s5 =	simm.s32 @!p2 $0x0  }
0x1d: {  	s5 =	simm.s32 @p1 $0x1;
	p0 =	seq.s32 s7, s2  }
0x1e: {  	s7 =	smul.u32 @!p0 $0xF7A, s2;
	p2 =	seq.s32 @!p0 s5, $0x0  }
0x1f: {  	s9 =	smul.u32 $0xF7A, s1;
	s8 =	simm.s32 @!p0 $0x1BF5;
	p2 =	por !p2, p0  }
0x20: {  	[sflag:s8] =	ssyncset.s32 @!p0 $0xFFFFF086;
	s6 =	sadd.s32 @!p0 s3, s7;
	s7 =	simm.s32 @!p0 $0x108  }
0x21: {  	s3 =	sadd.s32 s3, s9;
	s6 =	sadd.s32 @!p0 $0x88, s6;
	s7 =	simm.s32 @p2 $0x1082  }
0x22: {  	[simem:s7], [sflag:s8] =	dma.local @!p0 [hbm:s6], $0xF7A  }
0x23: {  	s9 =	sor.u32 $0xD0000000, s2;
	s6 =	simm.s32 $0x108;
	_ =	swait.ge @!p0 [sflag:s8], $0x0  }
0x24: {  	s3 =	sadd.s32 $0x88, s3;
	s6 =	simm.s32 @!p1 $0x1082;
	[sflag:s4] =	ssyncset.s32 $0xFFFFF086  }
0x25: {  	[simem:s6], [sflag:s4] =	dma.local [hbm:s3], $0xF7A  }
0x26: {  	[smem:$0x3F9F] =	sst s1;
	(tag) =	ssettag s2;
	_ =	strace s9  }
0x27: {  	s1 =	sld [smem:$0x3FAF]  }
0x28: {  	s2 =	sld [smem:$0x3FB0]  }
0x29: {  	s4 =	sld [smem:$0x3FB2]  }
0x2a: {  	p0 =	seq.s32 s5, $0x0;
	s5 =	sld [smem:$0x3FB3]  }
0x2b: {  	s6 =	sld [smem:$0x3FB4]  }
0x2c: {  	s7 =	sld [smem:$0x3FB5]  }
0x2d: {  	s3 =	simm.s32 $0x108;
	s8 =	sld [smem:$0x3FB6]  }
0x2e: {  	s3 =	simm.s32 @!p0 $0x1082;
	s9 =	sld [smem:$0x3FB7]  }
0x2f: {  	lr =	sadd.s32 s0, s3;
	s0 =	sld [smem:$0x3FAE]  }
0x30: {  	s3 =	sld [smem:$0x3FB1]  }
0x31: {  	[smem:$0x3FBA] =	sst s10  }
0x32: {  	s10 =	sld [smem:$0x3FB8];
	_ =	sdelay $0x3  }
0x33: {  	p0 =	seq.s32 s10, $0x1;
	s10 =	sld [smem:$0x3FBA];
	_ =	sdelay $0x3  }
0x34: {  	[smem:$0x3FBA] =	sst s10  }
0x35: {  	s10 =	sld [smem:$0x3FB9];
	_ =	sdelay $0x3  }
0x36: {  	p1 =	seq.s32 s10, $0x1;
	s10 =	sld [smem:$0x3FBA];
	_ =	sdelay $0x3  }
0x37: {  	[smem:$0x3FBA] =	sst s10  }
0x38: {  	s10 =	sld [smem:$0x3FBB]  }
0x39: {  	_ = 	snop;
	(pc) =	sbr.ind lr, $3  }
0x3a: {  	_ = 	snop  }
0x3b: {  	_ = 	snop  }
0x3c: {  	p2 =	seq.s32 s10, $0x1;
	s10 =	sld [smem:$0x3FBA]  }
0x3d: {  	_ =	shalt  }
0x3e: {  	_ =	shalt  }
0x3f: {  	_ =	shalt  }
0x40: {  	_ =	shalt  }
0x41: {  	_ =	shalt  }
0x42: {  	_ =	shalt  }
0x43: {  	_ =	shalt  }
0x44: {  	_ =	shalt  }
0x45: {  	_ =	shalt  }
0x46: {  	_ =	shalt  }
0x47: {  	_ =	shalt  }
0x48: {  	_ =	shalt  }
0x49: {  	_ =	shalt  }
0x4a: {  	_ =	shalt  }
0x4b: {  	_ =	shalt  }
0x4c: {  	_ =	shalt  }
0x4d: {  	_ =	shalt  }
0x4e: {  	_ =	shalt  }
0x4f: {  	_ =	shalt  }
0x50: {  	_ =	shalt  }
0x51: {  	_ =	shalt  }
0x52: {  	_ =	shalt  }
0x53: {  	_ =	shalt  }
0x54: {  	_ =	shalt  }
0x55: {  	_ =	shalt  }
0x56: {  	_ =	shalt  }
0x57: {  	_ =	shalt  }
0x58: {  	_ =	shalt  }
0x59: {  	_ =	shalt  }
0x5a: {  	_ =	shalt  }
0x5b: {  	_ =	shalt  }
0x5c: {  	_ =	shalt  }
0x5d: {  	_ =	shalt  }
0x5e: {  	_ =	shalt  }
0x5f: {  	_ =	shalt  }
0x60: {  	_ =	shalt  }
0x61: {  	_ =	shalt  }
0x62: {  	_ =	shalt  }
0x63: {  	_ =	shalt  }
0x64: {  	_ =	shalt  }
0x65: {  	_ =	shalt  }
0x66: {  	_ =	shalt  }
0x67: {  	_ =	shalt  }
0x68: {  	_ =	shalt  }
0x69: {  	_ =	shalt  }
0x6a: {  	_ =	shalt  }
0x6b: {  	_ =	shalt  }
0x6c: {  	_ =	shalt  }
0x6d: {  	_ =	shalt  }
0x6e: {  	_ =	shalt  }
0x6f: {  	_ =	shalt  }
0x70: {  	_ =	shalt  }
0x71: {  	_ =	shalt  }
0x72: {  	_ =	shalt  }
0x73: {  	_ =	shalt  }
0x74: {  	_ =	shalt  }
0x75: {  	_ =	shalt  }
0x76: {  	_ =	shalt  }
0x77: {  	_ =	shalt  }
0x78: {  	_ =	shalt  }
0x79: {  	_ =	shalt  }
0x7a: {  	_ =	shalt  }
0x7b: {  	_ =	shalt  }
0x7c: {  	_ =	shalt  }
0x7d: {  	_ =	shalt  }
0x7e: {  	_ =	shalt  }
0x7f: {  	_ =	shalt  }
0x80: {  	_ =	shalt  }
0x81: {  	_ =	shalt  }
0x82: {  	_ =	shalt  }
0x83: {  	_ =	shalt  }
0x84: {  	_ =	shalt  }
0x85: {  	_ =	shalt  }
0x86: {  	_ =	shalt  }
0x87: {  	_ =	shalt  }
.Lfunc_end0:
.L_simem_size_0:
called_computation_lowered:
.L_overlay_start_0:
0x88: {  	s2 =	sld [smem:$0x3FD9]  }
0x89: {  	s3 =	sld [smem:$0x3FFE];
	_ =	sdelay $0x1  }
0x8a: {  	s1 =	srdreg.scid  }
0x8b: {  	s0 =	sand.u32 $0x1, s1  }
0x8c: {  	s17 =	sshll.u32 s0, $0xA;
	s2 =	sadd.s32 s3, s2  }
0x8d: {  	s2 =	sadd.s32 s2, s17  }
0x8e: {  	[smem:$0x3FC6] =	sst s2  }
0x8f: {  	_ = 	snop  }
0x90: {  	s2 =	sld [smem:$0x3FC9]  }
0x91: {  	s18 =	sld [smem:$0x3FD0];
	(tm) =	ssettm $0x1  }
0x92: {  	s4 =	sld [smem:$0x3FFB];
	_ =	sdelay $0x3  }
0x93: {  	_ =	strace s4  }
0x94: {  	s4 =	sld [smem:$0x3FFC];
	_ =	sdelay $0x3  }
0x95: {  	_ =	strace s4  }
0x96: {  	s4 =	sld [smem:$0x3FFD];
	_ =	sdelay $0x3  }
0x97: {  	_ =	strace s4  }
0x98: {  	_ =	strace $0x8FFFFFFF  }
0x99: {  	s19 =	sld [smem:$0x3FDB];
	_ =	sdelay $0x1  }
0x9a: {  	s5 =	simm.s32 $_scs_section_size  }
0x9b: {  	s6 =	simm.s32 $_size__tile_overlayer_lowered;
	s7 =	simm.s32 $_tile_overlayer_lowered  }
0x9c: {  	s22 =	simm.s32 $0x1BFF;
	s21 =	sshll.u32 s7, $0x1;
	s4 =	sadd.s32 s5, s19  }
0x9d: {  	s8 =	simm.s32 $0x0;
	s20 =	sshll.u32 s6, $0x1;
	s6 =	sadd.s32 s21, s4  }
0x9e: {  	[timem:s8], [sflag:s22] =	dma.local [hbm:s6], s20  }
0x9f: {  	_ =	swait.ge [sflag:s22], s20  }
0xa0: {  	s5 =	ssub.s32 $0x0, s20;
	[sflag:s22] =	ssyncset.done $0x0  }
0xa1: {  	[sflag:s22] =	ssyncadd.s32 s5;
	_ =	sdelay $0x1  }
0xa2: {  	s23 =	simm.s32 $0x1B8B  }
0xa3: {  	_ =	swait.ge [sflag:s23], $0x1  }
0xa4: {  	[sflag:s23] =	ssyncset.done $0x0  }
0xa5: {  	s25 =	simm.s32 $0x1B8E;
	s24 =	sld [smem:$0x3FFE];
	[sflag:s23] =	ssyncadd.s32 $0xFFFFFFFF  }
0xa6: {  	s26 =	simm.s32 $execute0_lowered;
	[smem:$0x3FD2] =	sst s25  }
0xa7: {  	s6 =	sshll.u32 s26, $0x1;
	_ =	strace $0x80000046;
	[dreg:$0x1] =	wrdreg $0xFFFFFFFF  }
0xa8: {  	s28 =	simm.s32 $_size_execute0_lowered;
	s4 =	sadd.s32 s4, s6;
	[dreg:$0x0] =	wrdreg $0x0  }
0xa9: {  	s6 =	sshll.u32 s28, $0x1;
	[dreg:$0x2] =	wrdreg s4  }
0xaa: {  	[dreg:$0x3] =	wrdreg s6  }
0xab: {  	[dreg:$0x4] =	wrdreg $0xC0  }
0xac: {  	_ =	task [dreg:s8], $0x5FFFF  }
0xad: {  	[dreg:$0x1] =	wrdreg $0xFFFFFFFF  }
0xae: {  	[dreg:$0x0] =	wrdreg $0x60  }
0xaf: {  	[dreg:$0x2] =	wrdreg s2  }
0xb0: {  	[dreg:$0x3] =	wrdreg s24  }
0xb1: {  	[dreg:$0x4] =	wrdreg s18  }
0xb2: {  	[dreg:$0x5] =	wrdreg $0x9  }
0xb3: {  	_ =	task.clear_ibuf [dreg:s8], $0x6FFFF;
	_ =	strace $0x90000046  }
0xb4: {  	s29 =	simm.s32 $0x9;
	_ =	strace $0x80000048  }
0xb5: {  	_ =	swait.ge [sflag:s29], $0x1  }
0xb6: {  	[sflag:s29] =	ssyncadd.s32 $0xFFFFFFFF  }
0xb7: {  	_ =	strace $0x90000048  }
0xb8: {  	_ =	sfence  }
0xb9: {  	s30 =	sld [smem:$0x0];
	_ =	sdelay $0x2  }
0xba: {  	s31 =	sshll.u32 s1, $0xD;
	s1 =	sshrl.u32 s1, $0x2  }
0xbb: {  	s3 =	sand.u32 $0x4000, s31;
	s1 =	sadd.s32 s1, s30  }
0xbc: {  	s0 =	sor.u32 s3, s0;
	s1 =	sshll.u32 s1, $0x11  }
0xbd: {  	s0 =	sor.u32 s1, s0  }
0xbe: {  	s0 =	sadd.s32 $0x8F2B, s0  }
0xbf: {  	[sflag:s0] =	ssyncadd.remote.s32 $0x1  }
0xc0: {  	_ =	sfence.sel $0xFFFF  }
0xc1: {  	[dreg:$0x0] =	wrdreg $0xFFFFFFFF;
	(pc) =	sbr.abs _section_cstart, $3  }
0xc2: {  	[dreg:$0x1] =	wrdreg $0xFFFFFFFF  }
0xc3: {  	_ =	task.clear_ibuf [dreg:s8], $0x2FFFF;
	_ =	strace $0x9FFFFFFF  }
0xc4: {  	(tm) =	ssettm $0x7FFFFFFF  }
0xc5: {  	_ =	shalt  }
tec
execute0_lowered:
.L_overlay_start_1:
0x0: {  	(tag) =	ssettag $0x1  }
0x1: {  	s0 =	srdreg.scid  }
0x2: {  	s4 =	stileid.u32;
	s1 =	rddreg [dreg:$0x0];
	s0 =	sand.u32 $0x1, s0  }
0x3: {  	s9 =	rddreg [dreg:$0x1];
	s2 =	sshll.u32 s4, $0x6;
	s3 =	sshll.u32 s0, $0x5  }
0x4: {  	s6 =	rddreg [dreg:$0x2];
	s8 =	sshrl.u32 s4, $0x2;
	s2 =	sor.u32 s3, s2  }
0x5: {  	s5 =	smul.u32 $0x300000, s8;
	s3 =	simm.s32 $0x0;
	s10 =	sand.u32 $0xE0, s2  }
0x6: {  	[smem:$0x7FF] =	sst s3;
	s7 =	smul.u32 $0x3000, s10  }
0x7: {  	s31 =	simm.s32 $0x100;
	s2 =	sadd.s32 s2, s9;
	_ =	strace $0x80000047  }
0x8: {  	s12 =	sadd.s32 $0xA00, s2;
	[dreg:$0x15] =	wrdreg s31;
	s11 =	sadd.s32 s5, s7  }
0x9: {  	s2 =	sadd.s32 $0x600, s2;
	[dreg:$0x4] =	wrdreg s12;
	s4 =	sshrl.u32 s11, $0x3  }
0xa: {  	[dreg:$0x5] =	wrdreg s2;
	s13 =	sadd.s32 s6, s4  }
0xb: {  	s14 =	sadd.s32 $0xC00, s13;
	[dreg:$0x16] =	wrdreg s13  }
0xc: {  	s15 =	sadd.s32 $0x1800, s13;
	[dreg:$0x6] =	wrdreg s14  }
0xd: {  	s16 =	sadd.s32 $0x2400, s13;
	[dreg:$0x7] =	wrdreg s15  }
0xe: {  	s17 =	sadd.s32 $0x3000, s13;
	[dreg:$0x8] =	wrdreg s16  }
0xf: {  	s18 =	sadd.s32 $0x3C00, s13;
	[dreg:$0x9] =	wrdreg s17  }
0x10: {  	s19 =	sadd.s32 $0x4800, s13;
	[dreg:$0xa] =	wrdreg s18  }
0x11: {  	s0 =	ssub.s32 $0x2, s0;
	s20 =	sadd.s32 $0x5400, s13;
	[dreg:$0xb] =	wrdreg s19  }
0x12: {  	s28 =	sshrl.u32 s0, $0x1;
	s21 =	sadd.s32 $0x6000, s13;
	[dreg:$0xc] =	wrdreg s20  }
0x13: {  	s0 =	ssub.s32 s0, s28;
	s22 =	sadd.s32 $0x6C00, s13;
	[dreg:$0xd] =	wrdreg s21  }
0x14: {  	s12 =	simm.s32 $0x5;
	s23 =	sadd.s32 $0x7800, s13;
	[dreg:$0xe] =	wrdreg s22  }
0x15: {  	s2 =	simm.s32 $0x12200;
	s24 =	sadd.s32 $0x8400, s13;
	[dreg:$0xf] =	wrdreg s23  }
0x16: {  	s5 =	sadd.s32 $0x100, s1;
	s25 =	sadd.s32 $0x9000, s13;
	[dreg:$0x10] =	wrdreg s24  }
0x17: {  	s7 =	smax.u32 s0, $0x1;
	s26 =	sadd.s32 $0x9C00, s13;
	[dreg:$0x11] =	wrdreg s25  }
0x18: {  	s11 =	simm.s32 $0x1;
	s29 =	sadd.s32 $0xA800, s13;
	[dreg:$0x12] =	wrdreg s26  }
0x19: {  	s6 =	sadd.s32 $0x200, s1;
	s30 =	sadd.s32 $0xB400, s13;
	[dreg:$0x13] =	wrdreg s29  }
0x1a: {  	v2 =	vlaneseq.u32;
	s4 =	simm.s32 $0x6200;
	s13 =	simm.s32 $0x2;
	[dreg:$0x14] =	wrdreg s30  }
0x1b: {  	vm0 =	vmmov $0xffff;
	v1 =	vshrl.u32 v2, $0x3;
	s14 =	simm.s32 $0x6;
	s15 =	simm.s32 $0x3;
	s16 =	simm.s32 $0x7  }
0x1c: {  	v0 =	vand.u32 $0x7, v2;
	v2 =	vor.u32 $0x8, v2;
	v1 =	vmul.u32 $0x8, v1;
	s17 =	simm.s32 $0x4;
	s18 =	simm.s32 $0x8;
	s22 =	simm.s32 $0xC200  }
.LBB2_1:
0x1d: {  	s19 =	rddreg [dreg:$0x4];
	s0 =	simm.s32 $0x9  }
0x1e: {  	[tilespmem:s3], [sflag:$0x9] =	stream.linear.gather [hbm4b:s19+s3], $0x100, $0x38;
	[tilespmem:$0x18200] =	vst v63  }
0x1f: {  	_ =	swait.ge [sflag:s0], $0x100  }
0x20: {  	s30 =	rddreg [dreg:$0x5];
	[sflag:s0] =	ssyncset.done $0x0  }
0x21: {  	s20 =	rddreg [dreg:$0x15];
	[sflag:s0] =	ssyncadd.s32 $0xFFFFFF00  }
0x22: {  	[tilespmem:s20], [sflag:$0x9] =	stream.linear.gather [hbm4b:s30+s3], $0x100, $0x38;
	[tilespmem:$0x18200] =	vst v63  }
0x23: {  	_ =	swait.ge [sflag:s0], $0x100  }
0x24: {  	[sflag:s0] =	ssyncset.done $0x0  }
0x25: {  	[sflag:s0] =	ssyncadd.s32 $0xFFFFFF00  }
0x26: {  	v3 =	vld [tilespmem:$0x0];
	_ =	sdelay $0x4  }
0x27: {  	v4 =	vshrl.u32 v3, $0x3  }
0x28: {  	v4 =	vmul.u32 $0x30, v4  }
0x29: {  	v3 =	vand.u32 $0x7, v3  }
0x2a: {  	v3 =	vor.u32 v3, v4  }
0x2b: {  	v4 =	vperm.xlane v3, v0;
	_ =	sdelay $0x1  }
0x2c: {  	v4 =	vadd.s32 v1, v4;
	_ =	sdelay $0x3  }
0x2d: {  	s20 =	simm.s32 $0x200;
	v3 =	vperm.xlane v3, v2  }
0x2e: {  	[tilespmem:s20], [sflag:$0x1] =	stream.indirect_vreg.gather [hbm4b:s1+s3], $0x80, v4, vm0, $0xb8;
	[tilespmem:$0x18200] =	vst v63  }
0x2f: {  	s31 =	simm.s32 $0xA00;
	v3 =	vadd.s32 v1, v3  }
0x30: {  	[tilespmem:s31], [sflag:$0x1] =	stream.indirect_vreg.gather [hbm4b:s5+s3], $0x80, v4, vm0, $0xb8;
	[tilespmem:$0x18200] =	vst v63  }
0x31: {  	s8 =	simm.s32 $0x1200  }
0x32: {  	[tilespmem:s8], [sflag:$0x1] =	stream.indirect_vreg.gather [hbm4b:s6+s3], $0x80, v4, vm0, $0xb8;
	[tilespmem:$0x18200] =	vst v63  }
0x33: {  	s9 =	simm.s32 $0x3200  }
0x34: {  	[tilespmem:s9], [sflag:$0x1] =	stream.indirect_vreg.gather [hbm4b:s1+s3], $0x80, v3, vm0, $0xb8;
	[tilespmem:$0x18200] =	vst v63  }
0x35: {  	s10 =	simm.s32 $0x3A00  }
0x36: {  	[tilespmem:s10], [sflag:$0x1] =	stream.indirect_vreg.gather [hbm4b:s5+s3], $0x80, v3, vm0, $0xb8;
	[tilespmem:$0x18200] =	vst v63  }
0x37: {  	s19 =	simm.s32 $0x4200  }
0x38: {  	[tilespmem:s19], [sflag:$0x1] =	stream.indirect_vreg.gather [hbm4b:s6+s3], $0x80, v3, vm0, $0xb8;
	[tilespmem:$0x18200] =	vst v63  }
0x39: {  	v3 =	vld [tilespmem:$0x100];
	_ =	sdelay $0x4  }
0x3a: {  	v33 =	vshrl.u32 v3, $0x3  }
0x3b: {  	v4 =	vmul.u32 $0x30, v33  }
0x3c: {  	v3 =	vand.u32 $0x7, v3  }
0x3d: {  	v3 =	vor.u32 v3, v4  }
0x3e: {  	v4 =	vperm.xlane v3, v0;
	_ =	sdelay $0x1  }
0x3f: {  	v4 =	vadd.s32 v1, v4;
	_ =	sdelay $0x3  }
0x40: {  	s21 =	simm.s32 $0x1A00;
	v3 =	vperm.xlane v3, v2  }
0x41: {  	[tilespmem:s21], [sflag:$0x1] =	stream.indirect_vreg.gather [hbm4b:s1+s3], $0x80, v4, vm0, $0xb8;
	[tilespmem:$0x18200] =	vst v63  }
0x42: {  	s23 =	simm.s32 $0x2200;
	v3 =	vadd.s32 v1, v3  }
0x43: {  	[tilespmem:s23], [sflag:$0x1] =	stream.indirect_vreg.gather [hbm4b:s5+s3], $0x80, v4, vm0, $0xb8;
	[tilespmem:$0x18200] =	vst v63  }
0x44: {  	s24 =	simm.s32 $0x2A00  }
0x45: {  	[tilespmem:s24], [sflag:$0x1] =	stream.indirect_vreg.gather [hbm4b:s6+s3], $0x80, v4, vm0, $0xb8;
	[tilespmem:$0x18200] =	vst v63  }
0x46: {  	s31 =	simm.s32 $0x4A00  }
0x47: {  	[tilespmem:s31], [sflag:$0x1] =	stream.indirect_vreg.gather [hbm4b:s1+s3], $0x80, v3, vm0, $0xb8;
	[tilespmem:$0x18200] =	vst v63  }
0x48: {  	s10 =	simm.s32 $0x5200  }
0x49: {  	[tilespmem:s10], [sflag:$0x1] =	stream.indirect_vreg.gather [hbm4b:s5+s3], $0x80, v3, vm0, $0xb8;
	[tilespmem:$0x18200] =	vst v63  }
0x4a: {  	s19 =	simm.s32 $0x5A00  }
0x4b: {  	[tilespmem:s19], [sflag:$0x1] =	stream.indirect_vreg.gather [hbm4b:s6+s3], $0x80, v3, vm0, $0xb8;
	[tilespmem:$0x18200] =	vst v63  }
0x4c: {  	v3 =	vld [tilespmem:$0x10];
	_ =	sdelay $0x4  }
0x4d: {  	v34 =	vshrl.u32 v3, $0x3  }
0x4e: {  	v4 =	vmul.u32 $0x30, v34  }
0x4f: {  	v3 =	vand.u32 $0x7, v3  }
0x50: {  	v3 =	vor.u32 v3, v4  }
0x51: {  	v4 =	vperm.xlane v3, v0;
	_ =	sdelay $0x1  }
0x52: {  	v4 =	vadd.s32 v1, v4;
	_ =	sdelay $0x3  }
0x53: {  	v3 =	vperm.xlane v3, v2  }
0x54: {  	[tilespmem:s4], [sflag:$0x2] =	stream.indirect_vreg.gather [hbm4b:s1+s3], $0x80, v4, vm0, $0xb8;
	[tilespmem:$0x18200] =	vst v63  }
0x55: {  	s31 =	simm.s32 $0x6A00;
	v3 =	vadd.s32 v1, v3  }
0x56: {  	[tilespmem:s31], [sflag:$0x2] =	stream.indirect_vreg.gather [hbm4b:s5+s3], $0x80, v4, vm0, $0xb8;
	[tilespmem:$0x18200] =	vst v63  }
0x57: {  	s19 =	simm.s32 $0x7200  }
0x58: {  	[tilespmem:s19], [sflag:$0x2] =	stream.indirect_vreg.gather [hbm4b:s6+s3], $0x80, v4, vm0, $0xb8;
	[tilespmem:$0x18200] =	vst v63  }
0x59: {  	s31 =	simm.s32 $0x9200  }
0x5a: {  	[tilespmem:s31], [sflag:$0x2] =	stream.indirect_vreg.gather [hbm4b:s1+s3], $0x80, v3, vm0, $0xb8;
	[tilespmem:$0x18200] =	vst v63  }
0x5b: {  	s19 =	simm.s32 $0x9A00  }
0x5c: {  	[tilespmem:s19], [sflag:$0x2] =	stream.indirect_vreg.gather [hbm4b:s5+s3], $0x80, v3, vm0, $0xb8;
	[tilespmem:$0x18200] =	vst v63  }
0x5d: {  	s31 =	simm.s32 $0xA200  }
0x5e: {  	[tilespmem:s31], [sflag:$0x2] =	stream.indirect_vreg.gather [hbm4b:s6+s3], $0x80, v3, vm0, $0xb8;
	[tilespmem:$0x18200] =	vst v63  }
0x5f: {  	v3 =	vld [tilespmem:$0x110];
	_ =	sdelay $0x4  }
0x60: {  	v35 =	vshrl.u32 v3, $0x3  }
0x61: {  	v4 =	vmul.u32 $0x30, v35  }
0x62: {  	v3 =	vand.u32 $0x7, v3  }
0x63: {  	v3 =	vor.u32 v3, v4  }
0x64: {  	v4 =	vperm.xlane v3, v0;
	_ =	sdelay $0x1  }
0x65: {  	v4 =	vadd.s32 v1, v4;
	_ =	sdelay $0x3  }
0x66: {  	s19 =	simm.s32 $0x7A00;
	v3 =	vperm.xlane v3, v2  }
0x67: {  	[tilespmem:s19], [sflag:$0x2] =	stream.indirect_vreg.gather [hbm4b:s1+s3], $0x80, v4, vm0, $0xb8;
	[tilespmem:$0x18200] =	vst v63  }
0x68: {  	v3 =	vadd.s32 v1, v3;
	s19 =	simm.s32 $0x8200  }
0x69: {  	[tilespmem:s19], [sflag:$0x2] =	stream.indirect_vreg.gather [hbm4b:s5+s3], $0x80, v4, vm0, $0xb8;
	[tilespmem:$0x18200] =	vst v63  }
0x6a: {  	s19 =	simm.s32 $0x8A00  }
0x6b: {  	[tilespmem:s19], [sflag:$0x2] =	stream.indirect_vreg.gather [hbm4b:s6+s3], $0x80, v4, vm0, $0xb8;
	[tilespmem:$0x18200] =	vst v63  }
0x6c: {  	s19 =	simm.s32 $0xAA00  }
0x6d: {  	[tilespmem:s19], [sflag:$0x2] =	stream.indirect_vreg.gather [hbm4b:s1+s3], $0x80, v3, vm0, $0xb8;
	[tilespmem:$0x18200] =	vst v63  }
0x6e: {  	s19 =	simm.s32 $0xB200  }
0x6f: {  	[tilespmem:s19], [sflag:$0x2] =	stream.indirect_vreg.gather [hbm4b:s5+s3], $0x80, v3, vm0, $0xb8;
	[tilespmem:$0x18200] =	vst v63  }
0x70: {  	s19 =	simm.s32 $0xBA00  }
0x71: {  	[tilespmem:s19], [sflag:$0x2] =	stream.indirect_vreg.gather [hbm4b:s6+s3], $0x80, v3, vm0, $0xb8;
	[tilespmem:$0x18200] =	vst v63  }
0x72: {  	v3 =	vld [tilespmem:$0x20];
	_ =	sdelay $0x4  }
0x73: {  	v36 =	vshrl.u32 v3, $0x3  }
0x74: {  	v4 =	vmul.u32 $0x30, v36  }
0x75: {  	v3 =	vand.u32 $0x7, v3  }
0x76: {  	v3 =	vor.u32 v3, v4  }
0x77: {  	v4 =	vperm.xlane v3, v0;
	_ =	sdelay $0x1  }
0x78: {  	v4 =	vadd.s32 v1, v4;
	_ =	sdelay $0x3  }
0x79: {  	v3 =	vperm.xlane v3, v2  }
0x7a: {  	[tilespmem:s22], [sflag:$0x3] =	stream.indirect_vreg.gather [hbm4b:s1+s3], $0x80, v4, vm0, $0xb8;
	[tilespmem:$0x18200] =	vst v63  }
0x7b: {  	s19 =	simm.s32 $0xCA00;
	v3 =	vadd.s32 v1, v3  }
0x7c: {  	[tilespmem:s19], [sflag:$0x3] =	stream.indirect_vreg.gather [hbm4b:s5+s3], $0x80, v4, vm0, $0xb8;
	[tilespmem:$0x18200] =	vst v63  }
0x7d: {  	s19 =	simm.s32 $0xD200  }
0x7e: {  	[tilespmem:s19], [sflag:$0x3] =	stream.indirect_vreg.gather [hbm4b:s6+s3], $0x80, v4, vm0, $0xb8;
	[tilespmem:$0x18200] =	vst v63  }
0x7f: {  	s19 =	simm.s32 $0xF200  }
0x80: {  	[tilespmem:s19], [sflag:$0x3] =	stream.indirect_vreg.gather [hbm4b:s1+s3], $0x80, v3, vm0, $0xb8;
	[tilespmem:$0x18200] =	vst v63  }
0x81: {  	s19 =	simm.s32 $0xFA00  }
0x82: {  	[tilespmem:s19], [sflag:$0x3] =	stream.indirect_vreg.gather [hbm4b:s5+s3], $0x80, v3, vm0, $0xb8;
	[tilespmem:$0x18200] =	vst v63  }
0x83: {  	s19 =	simm.s32 $0x10200  }
0x84: {  	[tilespmem:s19], [sflag:$0x3] =	stream.indirect_vreg.gather [hbm4b:s6+s3], $0x80, v3, vm0, $0xb8;
	[tilespmem:$0x18200] =	vst v63  }
0x85: {  	v3 =	vld [tilespmem:$0x120];
	_ =	sdelay $0x4  }
0x86: {  	v37 =	vshrl.u32 v3, $0x3  }
0x87: {  	v4 =	vmul.u32 $0x30, v37  }
0x88: {  	v3 =	vand.u32 $0x7, v3  }
0x89: {  	v3 =	vor.u32 v3, v4  }
0x8a: {  	v4 =	vperm.xlane v3, v0;
	_ =	sdelay $0x1  }
0x8b: {  	v4 =	vadd.s32 v1, v4;
	_ =	sdelay $0x3  }
0x8c: {  	s19 =	simm.s32 $0xDA00;
	v3 =	vperm.xlane v3, v2  }
0x8d: {  	[tilespmem:s19], [sflag:$0x3] =	stream.indirect_vreg.gather [hbm4b:s1+s3], $0x80, v4, vm0, $0xb8;
	[tilespmem:$0x18200] =	vst v63  }
0x8e: {  	v3 =	vadd.s32 v1, v3;
	s19 =	simm.s32 $0xE200  }
0x8f: {  	[tilespmem:s19], [sflag:$0x3] =	stream.indirect_vreg.gather [hbm4b:s5+s3], $0x80, v4, vm0, $0xb8;
	[tilespmem:$0x18200] =	vst v63  }
0x90: {  	s19 =	simm.s32 $0xEA00  }
0x91: {  	[tilespmem:s19], [sflag:$0x3] =	stream.indirect_vreg.gather [hbm4b:s6+s3], $0x80, v4, vm0, $0xb8;
	[tilespmem:$0x18200] =	vst v63  }
0x92: {  	s19 =	simm.s32 $0x10A00  }
0x93: {  	[tilespmem:s19], [sflag:$0x3] =	stream.indirect_vreg.gather [hbm4b:s1+s3], $0x80, v3, vm0, $0xb8;
	[tilespmem:$0x18200] =	vst v63  }
0x94: {  	s19 =	simm.s32 $0x11200  }
0x95: {  	[tilespmem:s19], [sflag:$0x3] =	stream.indirect_vreg.gather [hbm4b:s5+s3], $0x80, v3, vm0, $0xb8;
	[tilespmem:$0x18200] =	vst v63  }
0x96: {  	s19 =	simm.s32 $0x11A00  }
0x97: {  	[tilespmem:s19], [sflag:$0x3] =	stream.indirect_vreg.gather [hbm4b:s6+s3], $0x80, v3, vm0, $0xb8;
	[tilespmem:$0x18200] =	vst v63  }
0x98: {  	v3 =	vld [tilespmem:$0x30];
	_ =	sdelay $0x4  }
0x99: {  	v38 =	vshrl.u32 v3, $0x3  }
0x9a: {  	v4 =	vmul.u32 $0x30, v38  }
0x9b: {  	v3 =	vand.u32 $0x7, v3  }
0x9c: {  	v3 =	vor.u32 v3, v4  }
0x9d: {  	v4 =	vperm.xlane v3, v0;
	_ =	sdelay $0x1  }
0x9e: {  	v4 =	vadd.s32 v1, v4;
	_ =	sdelay $0x3  }
0x9f: {  	v3 =	vperm.xlane v3, v2  }
0xa0: {  	[tilespmem:s2], [sflag:$0x4] =	stream.indirect_vreg.gather [hbm4b:s1+s3], $0x80, v4, vm0, $0xb8;
	[tilespmem:$0x18200] =	vst v63  }
0xa1: {  	s0 =	simm.s32 $0x12A00;
	v3 =	vadd.s32 v1, v3  }
0xa2: {  	[tilespmem:s0], [sflag:$0x4] =	stream.indirect_vreg.gather [hbm4b:s5+s3], $0x80, v4, vm0, $0xb8;
	[tilespmem:$0x18200] =	vst v63  }
0xa3: {  	s0 =	simm.s32 $0x13200  }
0xa4: {  	[tilespmem:s0], [sflag:$0x4] =	stream.indirect_vreg.gather [hbm4b:s6+s3], $0x80, v4, vm0, $0xb8;
	[tilespmem:$0x18200] =	vst v63  }
0xa5: {  	s0 =	simm.s32 $0x15200  }
0xa6: {  	[tilespmem:s0], [sflag:$0x4] =	stream.indirect_vreg.gather [hbm4b:s1+s3], $0x80, v3, vm0, $0xb8;
	[tilespmem:$0x18200] =	vst v63  }
0xa7: {  	s0 =	simm.s32 $0x15A00  }
0xa8: {  	[tilespmem:s0], [sflag:$0x4] =	stream.indirect_vreg.gather [hbm4b:s5+s3], $0x80, v3, vm0, $0xb8;
	[tilespmem:$0x18200] =	vst v63  }
0xa9: {  	s0 =	simm.s32 $0x16200  }
0xaa: {  	[tilespmem:s0], [sflag:$0x4] =	stream.indirect_vreg.gather [hbm4b:s6+s3], $0x80, v3, vm0, $0xb8;
	[tilespmem:$0x18200] =	vst v63  }
0xab: {  	v3 =	vld [tilespmem:$0x130];
	_ =	sdelay $0x4  }
0xac: {  	v39 =	vshrl.u32 v3, $0x3  }
0xad: {  	v4 =	vmul.u32 $0x30, v39  }
0xae: {  	v3 =	vand.u32 $0x7, v3  }
0xaf: {  	v3 =	vor.u32 v3, v4  }
0xb0: {  	v4 =	vperm.xlane v3, v0;
	_ =	sdelay $0x1  }
0xb1: {  	v4 =	vadd.s32 v1, v4;
	_ =	sdelay $0x3  }
0xb2: {  	s0 =	simm.s32 $0x13A00;
	v3 =	vperm.xlane v3, v2  }
0xb3: {  	[tilespmem:s0], [sflag:$0x4] =	stream.indirect_vreg.gather [hbm4b:s1+s3], $0x80, v4, vm0, $0xb8;
	[tilespmem:$0x18200] =	vst v63  }
0xb4: {  	v3 =	vadd.s32 v1, v3;
	s0 =	simm.s32 $0x14200  }
0xb5: {  	[tilespmem:s0], [sflag:$0x4] =	stream.indirect_vreg.gather [hbm4b:s5+s3], $0x80, v4, vm0, $0xb8;
	[tilespmem:$0x18200] =	vst v63  }
0xb6: {  	s0 =	simm.s32 $0x14A00  }
0xb7: {  	[tilespmem:s0], [sflag:$0x4] =	stream.indirect_vreg.gather [hbm4b:s6+s3], $0x80, v4, vm0, $0xb8;
	[tilespmem:$0x18200] =	vst v63  }
0xb8: {  	s0 =	simm.s32 $0x16A00  }
0xb9: {  	[tilespmem:s0], [sflag:$0x4] =	stream.indirect_vreg.gather [hbm4b:s1+s3], $0x80, v3, vm0, $0xb8;
	[tilespmem:$0x18200] =	vst v63  }
0xba: {  	s0 =	simm.s32 $0x17200  }
0xbb: {  	[tilespmem:s0], [sflag:$0x4] =	stream.indirect_vreg.gather [hbm4b:s5+s3], $0x80, v3, vm0, $0xb8;
	[tilespmem:$0x18200] =	vst v63  }
0xbc: {  	s0 =	simm.s32 $0x17A00  }
0xbd: {  	[tilespmem:s0], [sflag:$0x4] =	stream.indirect_vreg.gather [hbm4b:s6+s3], $0x80, v3, vm0, $0xb8;
	[tilespmem:$0x18200] =	vst v63  }
0xbe: {  	_ =	swait.ge [sflag:s11], $0x3000  }
0xbf: {  	[sflag:s11] =	ssyncset.done $0x0  }
0xc0: {  	[sflag:s11] =	ssyncadd.s32 $0xFFFFD000  }
0xc1: {  	_ =	swait.ge [sflag:s11], $0x3000  }
0xc2: {  	[sflag:s11] =	ssyncset.done $0x0  }
0xc3: {  	s0 =	rddreg [dreg:$0x16];
	[sflag:s11] =	ssyncadd.s32 $0xFFFFD000  }
0xc4: {  	[hbm4b:s0+s3] =	stream.linear.scatter [tilespmem:s20], [sflag:$0x5], $0x6000, $0x38;
	[tilespmem:$0x18200] =	vst v63  }
0xc5: {  	_ =	swait.ge [sflag:s12], $0x6000  }
0xc6: {  	[sflag:s12] =	ssyncset.done $0x0  }
0xc7: {  	[sflag:s12] =	ssyncadd.s32 $0xFFFFA000  }
0xc8: {  	v3 =	vld [tilespmem:$0x40];
	_ =	sdelay $0x4  }
0xc9: {  	v40 =	vshrl.u32 v3, $0x3  }
0xca: {  	v4 =	vmul.u32 $0x30, v40  }
0xcb: {  	v3 =	vand.u32 $0x7, v3  }
0xcc: {  	v3 =	vor.u32 v3, v4  }
0xcd: {  	v4 =	vperm.xlane v3, v0;
	_ =	sdelay $0x1  }
0xce: {  	v4 =	vadd.s32 v1, v4;
	_ =	sdelay $0x3  }
0xcf: {  	v3 =	vperm.xlane v3, v2  }
0xd0: {  	[tilespmem:s20], [sflag:$0x1] =	stream.indirect_vreg.gather [hbm4b:s1+s3], $0x80, v4, vm0, $0xb8;
	[tilespmem:$0x18200] =	vst v63  }
0xd1: {  	s26 =	simm.s32 $0xA00;
	v3 =	vadd.s32 v1, v3  }
0xd2: {  	[tilespmem:s26], [sflag:$0x1] =	stream.indirect_vreg.gather [hbm4b:s5+s3], $0x80, v4, vm0, $0xb8;
	[tilespmem:$0x18200] =	vst v63  }
0xd3: {  	s28 =	simm.s32 $0x1200  }
0xd4: {  	[tilespmem:s28], [sflag:$0x1] =	stream.indirect_vreg.gather [hbm4b:s6+s3], $0x80, v4, vm0, $0xb8;
	[tilespmem:$0x18200] =	vst v63  }
0xd5: {  	s25 =	simm.s32 $0x3200  }
0xd6: {  	[tilespmem:s25], [sflag:$0x1] =	stream.indirect_vreg.gather [hbm4b:s1+s3], $0x80, v3, vm0, $0xb8;
	[tilespmem:$0x18200] =	vst v63  }
0xd7: {  	s29 =	simm.s32 $0x3A00  }
0xd8: {  	[tilespmem:s29], [sflag:$0x1] =	stream.indirect_vreg.gather [hbm4b:s5+s3], $0x80, v3, vm0, $0xb8;
	[tilespmem:$0x18200] =	vst v63  }
0xd9: {  	s8 =	simm.s32 $0x4200  }
0xda: {  	[tilespmem:s8], [sflag:$0x1] =	stream.indirect_vreg.gather [hbm4b:s6+s3], $0x80, v3, vm0, $0xb8;
	[tilespmem:$0x18200] =	vst v63  }
0xdb: {  	v3 =	vld [tilespmem:$0x140];
	_ =	sdelay $0x4  }
0xdc: {  	v41 =	vshrl.u32 v3, $0x3  }
0xdd: {  	v4 =	vmul.u32 $0x30, v41  }
0xde: {  	v3 =	vand.u32 $0x7, v3  }
0xdf: {  	v3 =	vor.u32 v3, v4  }
0xe0: {  	v4 =	vperm.xlane v3, v0;
	_ =	sdelay $0x1  }
0xe1: {  	v4 =	vadd.s32 v1, v4;
	_ =	sdelay $0x3  }
0xe2: {  	s9 =	simm.s32 $0x1A00;
	v3 =	vperm.xlane v3, v2  }
0xe3: {  	[tilespmem:s9], [sflag:$0x1] =	stream.indirect_vreg.gather [hbm4b:s1+s3], $0x80, v4, vm0, $0xb8;
	[tilespmem:$0x18200] =	vst v63  }
0xe4: {  	s30 =	simm.s32 $0x2200;
	v3 =	vadd.s32 v1, v3  }
0xe5: {  	[tilespmem:s30], [sflag:$0x1] =	stream.indirect_vreg.gather [hbm4b:s5+s3], $0x80, v4, vm0, $0xb8;
	[tilespmem:$0x18200] =	vst v63  }
0xe6: {  	s21 =	simm.s32 $0x2A00  }
0xe7: {  	[tilespmem:s21], [sflag:$0x1] =	stream.indirect_vreg.gather [hbm4b:s6+s3], $0x80, v4, vm0, $0xb8;
	[tilespmem:$0x18200] =	vst v63  }
0xe8: {  	s23 =	simm.s32 $0x4A00  }
0xe9: {  	[tilespmem:s23], [sflag:$0x1] =	stream.indirect_vreg.gather [hbm4b:s1+s3], $0x80, v3, vm0, $0xb8;
	[tilespmem:$0x18200] =	vst v63  }
0xea: {  	s24 =	simm.s32 $0x5200  }
0xeb: {  	[tilespmem:s24], [sflag:$0x1] =	stream.indirect_vreg.gather [hbm4b:s5+s3], $0x80, v3, vm0, $0xb8;
	[tilespmem:$0x18200] =	vst v63  }
0xec: {  	s10 =	simm.s32 $0x5A00  }
0xed: {  	[tilespmem:s10], [sflag:$0x1] =	stream.indirect_vreg.gather [hbm4b:s6+s3], $0x80, v3, vm0, $0xb8;
	[tilespmem:$0x18200] =	vst v63  }
0xee: {  	_ =	swait.ge [sflag:s13], $0x3000  }
0xef: {  	[sflag:s13] =	ssyncset.done $0x0  }
0xf0: {  	[sflag:s13] =	ssyncadd.s32 $0xFFFFD000  }
0xf1: {  	_ =	swait.ge [sflag:s13], $0x3000  }
0xf2: {  	[sflag:s13] =	ssyncset.done $0x0  }
0xf3: {  	s25 =	rddreg [dreg:$0x6];
	[sflag:s13] =	ssyncadd.s32 $0xFFFFD000  }
0xf4: {  	[hbm4b:s25+s3] =	stream.linear.scatter [tilespmem:s4], [sflag:$0x6], $0x6000, $0x38;
	[tilespmem:$0x18200] =	vst v63  }
0xf5: {  	_ =	swait.ge [sflag:s14], $0x6000  }
0xf6: {  	[sflag:s14] =	ssyncset.done $0x0  }
0xf7: {  	[sflag:s14] =	ssyncadd.s32 $0xFFFFA000  }
0xf8: {  	v3 =	vld [tilespmem:$0x50];
	_ =	sdelay $0x4  }
0xf9: {  	v42 =	vshrl.u32 v3, $0x3  }
0xfa: {  	v4 =	vmul.u32 $0x30, v42  }
0xfb: {  	v3 =	vand.u32 $0x7, v3  }
0xfc: {  	v3 =	vor.u32 v3, v4  }
0xfd: {  	v4 =	vperm.xlane v3, v0;
	_ =	sdelay $0x1  }
0xfe: {  	v4 =	vadd.s32 v1, v4;
	_ =	sdelay $0x3  }
0xff: {  	v3 =	vperm.xlane v3, v2  }
0x100: {  	[tilespmem:s4], [sflag:$0x2] =	stream.indirect_vreg.gather [hbm4b:s1+s3], $0x80, v4, vm0, $0xb8;
	[tilespmem:$0x18200] =	vst v63  }
0x101: {  	s26 =	simm.s32 $0x6A00;
	v3 =	vadd.s32 v1, v3  }
0x102: {  	[tilespmem:s26], [sflag:$0x2] =	stream.indirect_vreg.gather [hbm4b:s5+s3], $0x80, v4, vm0, $0xb8;
	[tilespmem:$0x18200] =	vst v63  }
0x103: {  	s28 =	simm.s32 $0x7200  }
0x104: {  	[tilespmem:s28], [sflag:$0x2] =	stream.indirect_vreg.gather [hbm4b:s6+s3], $0x80, v4, vm0, $0xb8;
	[tilespmem:$0x18200] =	vst v63  }
0x105: {  	s29 =	simm.s32 $0x9200  }
0x106: {  	[tilespmem:s29], [sflag:$0x2] =	stream.indirect_vreg.gather [hbm4b:s1+s3], $0x80, v3, vm0, $0xb8;
	[tilespmem:$0x18200] =	vst v63  }
0x107: {  	s30 =	simm.s32 $0x9A00  }
0x108: {  	[tilespmem:s30], [sflag:$0x2] =	stream.indirect_vreg.gather [hbm4b:s5+s3], $0x80, v3, vm0, $0xb8;
	[tilespmem:$0x18200] =	vst v63  }
0x109: {  	s31 =	simm.s32 $0xA200  }
0x10a: {  	[tilespmem:s31], [sflag:$0x2] =	stream.indirect_vreg.gather [hbm4b:s6+s3], $0x80, v3, vm0, $0xb8;
	[tilespmem:$0x18200] =	vst v63  }
0x10b: {  	v3 =	vld [tilespmem:$0x150];
	_ =	sdelay $0x4  }
0x10c: {  	v43 =	vshrl.u32 v3, $0x3  }
0x10d: {  	v4 =	vmul.u32 $0x30, v43  }
0x10e: {  	v3 =	vand.u32 $0x7, v3  }
0x10f: {  	v3 =	vor.u32 v3, v4  }
0x110: {  	v4 =	vperm.xlane v3, v0;
	_ =	sdelay $0x1  }
0x111: {  	v4 =	vadd.s32 v1, v4;
	_ =	sdelay $0x3  }
0x112: {  	s8 =	simm.s32 $0x7A00;
	v3 =	vperm.xlane v3, v2  }
0x113: {  	[tilespmem:s8], [sflag:$0x2] =	stream.indirect_vreg.gather [hbm4b:s1+s3], $0x80, v4, vm0, $0xb8;
	[tilespmem:$0x18200] =	vst v63  }
0x114: {  	s9 =	simm.s32 $0x8200;
	v3 =	vadd.s32 v1, v3  }
0x115: {  	[tilespmem:s9], [sflag:$0x2] =	stream.indirect_vreg.gather [hbm4b:s5+s3], $0x80, v4, vm0, $0xb8;
	[tilespmem:$0x18200] =	vst v63  }
0x116: {  	s24 =	simm.s32 $0x8A00  }
0x117: {  	[tilespmem:s24], [sflag:$0x2] =	stream.indirect_vreg.gather [hbm4b:s6+s3], $0x80, v4, vm0, $0xb8;
	[tilespmem:$0x18200] =	vst v63  }
0x118: {  	s25 =	simm.s32 $0xAA00  }
0x119: {  	[tilespmem:s25], [sflag:$0x2] =	stream.indirect_vreg.gather [hbm4b:s1+s3], $0x80, v3, vm0, $0xb8;
	[tilespmem:$0x18200] =	vst v63  }
0x11a: {  	s26 =	simm.s32 $0xB200  }
0x11b: {  	[tilespmem:s26], [sflag:$0x2] =	stream.indirect_vreg.gather [hbm4b:s5+s3], $0x80, v3, vm0, $0xb8;
	[tilespmem:$0x18200] =	vst v63  }
0x11c: {  	s28 =	simm.s32 $0xBA00  }
0x11d: {  	[tilespmem:s28], [sflag:$0x2] =	stream.indirect_vreg.gather [hbm4b:s6+s3], $0x80, v3, vm0, $0xb8;
	[tilespmem:$0x18200] =	vst v63  }
0x11e: {  	_ =	swait.ge [sflag:s15], $0x3000  }
0x11f: {  	[sflag:s15] =	ssyncset.done $0x0  }
0x120: {  	[sflag:s15] =	ssyncadd.s32 $0xFFFFD000  }
0x121: {  	_ =	swait.ge [sflag:s15], $0x3000  }
0x122: {  	[sflag:s15] =	ssyncset.done $0x0  }
0x123: {  	s10 =	rddreg [dreg:$0x7];
	[sflag:s15] =	ssyncadd.s32 $0xFFFFD000  }
0x124: {  	[hbm4b:s10+s3] =	stream.linear.scatter [tilespmem:s22], [sflag:$0x7], $0x6000, $0x38;
	[tilespmem:$0x18200] =	vst v63  }
0x125: {  	_ =	swait.ge [sflag:s16], $0x6000  }
0x126: {  	[sflag:s16] =	ssyncset.done $0x0  }
0x127: {  	[sflag:s16] =	ssyncadd.s32 $0xFFFFA000  }
0x128: {  	v3 =	vld [tilespmem:$0x60];
	_ =	sdelay $0x4  }
0x129: {  	v44 =	vshrl.u32 v3, $0x3  }
0x12a: {  	v4 =	vmul.u32 $0x30, v44  }
0x12b: {  	v3 =	vand.u32 $0x7, v3  }
0x12c: {  	v3 =	vor.u32 v3, v4  }
0x12d: {  	v4 =	vperm.xlane v3, v0;
	_ =	sdelay $0x1  }
0x12e: {  	v4 =	vadd.s32 v1, v4;
	_ =	sdelay $0x3  }
0x12f: {  	v3 =	vperm.xlane v3, v2  }
0x130: {  	[tilespmem:s22], [sflag:$0x3] =	stream.indirect_vreg.gather [hbm4b:s1+s3], $0x80, v4, vm0, $0xb8;
	[tilespmem:$0x18200] =	vst v63  }
0x131: {  	s29 =	simm.s32 $0xCA00;
	v3 =	vadd.s32 v1, v3  }
0x132: {  	[tilespmem:s29], [sflag:$0x3] =	stream.indirect_vreg.gather [hbm4b:s5+s3], $0x80, v4, vm0, $0xb8;
	[tilespmem:$0x18200] =	vst v63  }
0x133: {  	s30 =	simm.s32 $0xD200  }
0x134: {  	[tilespmem:s30], [sflag:$0x3] =	stream.indirect_vreg.gather [hbm4b:s6+s3], $0x80, v4, vm0, $0xb8;
	[tilespmem:$0x18200] =	vst v63  }
0x135: {  	s31 =	simm.s32 $0xF200  }
0x136: {  	[tilespmem:s31], [sflag:$0x3] =	stream.indirect_vreg.gather [hbm4b:s1+s3], $0x80, v3, vm0, $0xb8;
	[tilespmem:$0x18200] =	vst v63  }
0x137: {  	s0 =	simm.s32 $0xFA00  }
0x138: {  	[tilespmem:s0], [sflag:$0x3] =	stream.indirect_vreg.gather [hbm4b:s5+s3], $0x80, v3, vm0, $0xb8;
	[tilespmem:$0x18200] =	vst v63  }
0x139: {  	s19 =	simm.s32 $0x10200  }
0x13a: {  	[tilespmem:s19], [sflag:$0x3] =	stream.indirect_vreg.gather [hbm4b:s6+s3], $0x80, v3, vm0, $0xb8;
	[tilespmem:$0x18200] =	vst v63  }
0x13b: {  	v3 =	vld [tilespmem:$0x160];
	_ =	sdelay $0x4  }
0x13c: {  	v45 =	vshrl.u32 v3, $0x3  }
0x13d: {  	v4 =	vmul.u32 $0x30, v45  }
0x13e: {  	v3 =	vand.u32 $0x7, v3  }
0x13f: {  	v3 =	vor.u32 v3, v4  }
0x140: {  	v4 =	vperm.xlane v3, v0;
	_ =	sdelay $0x1  }
0x141: {  	v4 =	vadd.s32 v1, v4;
	_ =	sdelay $0x3  }
0x142: {  	s21 =	simm.s32 $0xDA00;
	v3 =	vperm.xlane v3, v2  }
0x143: {  	[tilespmem:s21], [sflag:$0x3] =	stream.indirect_vreg.gather [hbm4b:s1+s3], $0x80, v4, vm0, $0xb8;
	[tilespmem:$0x18200] =	vst v63  }
0x144: {  	v3 =	vadd.s32 v1, v3;
	s21 =	simm.s32 $0xE200  }
0x145: {  	[tilespmem:s21], [sflag:$0x3] =	stream.indirect_vreg.gather [hbm4b:s5+s3], $0x80, v4, vm0, $0xb8;
	[tilespmem:$0x18200] =	vst v63  }
0x146: {  	s8 =	simm.s32 $0xEA00  }
0x147: {  	[tilespmem:s8], [sflag:$0x3] =	stream.indirect_vreg.gather [hbm4b:s6+s3], $0x80, v4, vm0, $0xb8;
	[tilespmem:$0x18200] =	vst v63  }
0x148: {  	s9 =	simm.s32 $0x10A00  }
0x149: {  	[tilespmem:s9], [sflag:$0x3] =	stream.indirect_vreg.gather [hbm4b:s1+s3], $0x80, v3, vm0, $0xb8;
	[tilespmem:$0x18200] =	vst v63  }
0x14a: {  	s10 =	simm.s32 $0x11200  }
0x14b: {  	[tilespmem:s10], [sflag:$0x3] =	stream.indirect_vreg.gather [hbm4b:s5+s3], $0x80, v3, vm0, $0xb8;
	[tilespmem:$0x18200] =	vst v63  }
0x14c: {  	s19 =	simm.s32 $0x11A00  }
0x14d: {  	[tilespmem:s19], [sflag:$0x3] =	stream.indirect_vreg.gather [hbm4b:s6+s3], $0x80, v3, vm0, $0xb8;
	[tilespmem:$0x18200] =	vst v63  }
0x14e: {  	_ =	swait.ge [sflag:s17], $0x3000  }
0x14f: {  	[sflag:s17] =	ssyncset.done $0x0  }
0x150: {  	[sflag:s17] =	ssyncadd.s32 $0xFFFFD000  }
0x151: {  	_ =	swait.ge [sflag:s17], $0x3000  }
0x152: {  	[sflag:s17] =	ssyncset.done $0x0  }
0x153: {  	s19 =	rddreg [dreg:$0x8];
	[sflag:s17] =	ssyncadd.s32 $0xFFFFD000  }
0x154: {  	[hbm4b:s19+s3] =	stream.linear.scatter [tilespmem:s2], [sflag:$0x8], $0x6000, $0x38;
	[tilespmem:$0x18200] =	vst v63  }
0x155: {  	_ =	swait.ge [sflag:s18], $0x6000  }
0x156: {  	[sflag:s18] =	ssyncset.done $0x0  }
0x157: {  	[sflag:s18] =	ssyncadd.s32 $0xFFFFA000  }
0x158: {  	v3 =	vld [tilespmem:$0x70];
	_ =	sdelay $0x4  }
0x159: {  	v46 =	vshrl.u32 v3, $0x3  }
0x15a: {  	v4 =	vmul.u32 $0x30, v46  }
0x15b: {  	v3 =	vand.u32 $0x7, v3  }
0x15c: {  	v3 =	vor.u32 v3, v4  }
0x15d: {  	v4 =	vperm.xlane v3, v0;
	_ =	sdelay $0x1  }
0x15e: {  	v4 =	vadd.s32 v1, v4;
	_ =	sdelay $0x3  }
0x15f: {  	v3 =	vperm.xlane v3, v2  }
0x160: {  	[tilespmem:s2], [sflag:$0x4] =	stream.indirect_vreg.gather [hbm4b:s1+s3], $0x80, v4, vm0, $0xb8;
	[tilespmem:$0x18200] =	vst v63  }
0x161: {  	s19 =	simm.s32 $0x12A00;
	v3 =	vadd.s32 v1, v3  }
0x162: {  	[tilespmem:s19], [sflag:$0x4] =	stream.indirect_vreg.gather [hbm4b:s5+s3], $0x80, v4, vm0, $0xb8;
	[tilespmem:$0x18200] =	vst v63  }
0x163: {  	s19 =	simm.s32 $0x13200  }
0x164: {  	[tilespmem:s19], [sflag:$0x4] =	stream.indirect_vreg.gather [hbm4b:s6+s3], $0x80, v4, vm0, $0xb8;
	[tilespmem:$0x18200] =	vst v63  }
0x165: {  	s19 =	simm.s32 $0x15200  }
0x166: {  	[tilespmem:s19], [sflag:$0x4] =	stream.indirect_vreg.gather [hbm4b:s1+s3], $0x80, v3, vm0, $0xb8;
	[tilespmem:$0x18200] =	vst v63  }
0x167: {  	s19 =	simm.s32 $0x15A00  }
0x168: {  	[tilespmem:s19], [sflag:$0x4] =	stream.indirect_vreg.gather [hbm4b:s5+s3], $0x80, v3, vm0, $0xb8;
	[tilespmem:$0x18200] =	vst v63  }
0x169: {  	s19 =	simm.s32 $0x16200  }
0x16a: {  	[tilespmem:s19], [sflag:$0x4] =	stream.indirect_vreg.gather [hbm4b:s6+s3], $0x80, v3, vm0, $0xb8;
	[tilespmem:$0x18200] =	vst v63  }
0x16b: {  	v3 =	vld [tilespmem:$0x170];
	_ =	sdelay $0x4  }
0x16c: {  	v47 =	vshrl.u32 v3, $0x3  }
0x16d: {  	v4 =	vmul.u32 $0x30, v47  }
0x16e: {  	v3 =	vand.u32 $0x7, v3  }
0x16f: {  	v3 =	vor.u32 v3, v4  }
0x170: {  	v4 =	vperm.xlane v3, v0;
	_ =	sdelay $0x1  }
0x171: {  	v4 =	vadd.s32 v1, v4;
	_ =	sdelay $0x3  }
0x172: {  	s19 =	simm.s32 $0x13A00;
	v3 =	vperm.xlane v3, v2  }
0x173: {  	[tilespmem:s19], [sflag:$0x4] =	stream.indirect_vreg.gather [hbm4b:s1+s3], $0x80, v4, vm0, $0xb8;
	[tilespmem:$0x18200] =	vst v63  }
0x174: {  	v3 =	vadd.s32 v1, v3;
	s19 =	simm.s32 $0x14200  }
0x175: {  	[tilespmem:s19], [sflag:$0x4] =	stream.indirect_vreg.gather [hbm4b:s5+s3], $0x80, v4, vm0, $0xb8;
	[tilespmem:$0x18200] =	vst v63  }
0x176: {  	s19 =	simm.s32 $0x14A00  }
0x177: {  	[tilespmem:s19], [sflag:$0x4] =	stream.indirect_vreg.gather [hbm4b:s6+s3], $0x80, v4, vm0, $0xb8;
	[tilespmem:$0x18200] =	vst v63  }
0x178: {  	s19 =	simm.s32 $0x16A00  }
0x179: {  	[tilespmem:s19], [sflag:$0x4] =	stream.indirect_vreg.gather [hbm4b:s1+s3], $0x80, v3, vm0, $0xb8;
	[tilespmem:$0x18200] =	vst v63  }
0x17a: {  	s19 =	simm.s32 $0x17200  }
0x17b: {  	[tilespmem:s19], [sflag:$0x4] =	stream.indirect_vreg.gather [hbm4b:s5+s3], $0x80, v3, vm0, $0xb8;
	[tilespmem:$0x18200] =	vst v63  }
0x17c: {  	s19 =	simm.s32 $0x17A00  }
0x17d: {  	[tilespmem:s19], [sflag:$0x4] =	stream.indirect_vreg.gather [hbm4b:s6+s3], $0x80, v3, vm0, $0xb8;
	[tilespmem:$0x18200] =	vst v63  }
0x17e: {  	_ =	swait.ge [sflag:s11], $0x3000  }
0x17f: {  	[sflag:s11] =	ssyncset.done $0x0  }
0x180: {  	[sflag:s11] =	ssyncadd.s32 $0xFFFFD000  }
0x181: {  	_ =	swait.ge [sflag:s11], $0x3000  }
0x182: {  	[sflag:s11] =	ssyncset.done $0x0  }
0x183: {  	s19 =	rddreg [dreg:$0x9];
	[sflag:s11] =	ssyncadd.s32 $0xFFFFD000  }
0x184: {  	[hbm4b:s19+s3] =	stream.linear.scatter [tilespmem:s20], [sflag:$0x5], $0x6000, $0x38;
	[tilespmem:$0x18200] =	vst v63  }
0x185: {  	_ =	swait.ge [sflag:s12], $0x6000  }
0x186: {  	[sflag:s12] =	ssyncset.done $0x0  }
0x187: {  	[sflag:s12] =	ssyncadd.s32 $0xFFFFA000  }
0x188: {  	v3 =	vld [tilespmem:$0x80];
	_ =	sdelay $0x4  }
0x189: {  	v48 =	vshrl.u32 v3, $0x3  }
0x18a: {  	v4 =	vmul.u32 $0x30, v48  }
0x18b: {  	v3 =	vand.u32 $0x7, v3  }
0x18c: {  	v3 =	vor.u32 v3, v4  }
0x18d: {  	v4 =	vperm.xlane v3, v0;
	_ =	sdelay $0x1  }
0x18e: {  	v4 =	vadd.s32 v1, v4;
	_ =	sdelay $0x3  }
0x18f: {  	v3 =	vperm.xlane v3, v2  }
0x190: {  	[tilespmem:s20], [sflag:$0x1] =	stream.indirect_vreg.gather [hbm4b:s1+s3], $0x80, v4, vm0, $0xb8;
	[tilespmem:$0x18200] =	vst v63  }
0x191: {  	s19 =	simm.s32 $0xA00;
	v3 =	vadd.s32 v1, v3  }
0x192: {  	[tilespmem:s19], [sflag:$0x1] =	stream.indirect_vreg.gather [hbm4b:s5+s3], $0x80, v4, vm0, $0xb8;
	[tilespmem:$0x18200] =	vst v63  }
0x193: {  	s19 =	simm.s32 $0x1200  }
0x194: {  	[tilespmem:s19], [sflag:$0x1] =	stream.indirect_vreg.gather [hbm4b:s6+s3], $0x80, v4, vm0, $0xb8;
	[tilespmem:$0x18200] =	vst v63  }
0x195: {  	s19 =	simm.s32 $0x3200  }
0x196: {  	[tilespmem:s19], [sflag:$0x1] =	stream.indirect_vreg.gather [hbm4b:s1+s3], $0x80, v3, vm0, $0xb8;
	[tilespmem:$0x18200] =	vst v63  }
0x197: {  	s19 =	simm.s32 $0x3A00  }
0x198: {  	[tilespmem:s19], [sflag:$0x1] =	stream.indirect_vreg.gather [hbm4b:s5+s3], $0x80, v3, vm0, $0xb8;
	[tilespmem:$0x18200] =	vst v63  }
0x199: {  	s19 =	simm.s32 $0x4200  }
0x19a: {  	[tilespmem:s19], [sflag:$0x1] =	stream.indirect_vreg.gather [hbm4b:s6+s3], $0x80, v3, vm0, $0xb8;
	[tilespmem:$0x18200] =	vst v63  }
0x19b: {  	v3 =	vld [tilespmem:$0x180];
	_ =	sdelay $0x4  }
0x19c: {  	v49 =	vshrl.u32 v3, $0x3  }
0x19d: {  	v4 =	vmul.u32 $0x30, v49  }
0x19e: {  	v3 =	vand.u32 $0x7, v3  }
0x19f: {  	v3 =	vor.u32 v3, v4  }
0x1a0: {  	v4 =	vperm.xlane v3, v0;
	_ =	sdelay $0x1  }
0x1a1: {  	v4 =	vadd.s32 v1, v4;
	_ =	sdelay $0x3  }
0x1a2: {  	s19 =	simm.s32 $0x1A00;
	v3 =	vperm.xlane v3, v2  }
0x1a3: {  	[tilespmem:s19], [sflag:$0x1] =	stream.indirect_vreg.gather [hbm4b:s1+s3], $0x80, v4, vm0, $0xb8;
	[tilespmem:$0x18200] =	vst v63  }
0x1a4: {  	v3 =	vadd.s32 v1, v3;
	s19 =	simm.s32 $0x2200  }
0x1a5: {  	[tilespmem:s19], [sflag:$0x1] =	stream.indirect_vreg.gather [hbm4b:s5+s3], $0x80, v4, vm0, $0xb8;
	[tilespmem:$0x18200] =	vst v63  }
0x1a6: {  	s19 =	simm.s32 $0x2A00  }
0x1a7: {  	[tilespmem:s19], [sflag:$0x1] =	stream.indirect_vreg.gather [hbm4b:s6+s3], $0x80, v4, vm0, $0xb8;
	[tilespmem:$0x18200] =	vst v63  }
0x1a8: {  	s19 =	simm.s32 $0x4A00  }
0x1a9: {  	[tilespmem:s19], [sflag:$0x1] =	stream.indirect_vreg.gather [hbm4b:s1+s3], $0x80, v3, vm0, $0xb8;
	[tilespmem:$0x18200] =	vst v63  }
0x1aa: {  	s19 =	simm.s32 $0x5200  }
0x1ab: {  	[tilespmem:s19], [sflag:$0x1] =	stream.indirect_vreg.gather [hbm4b:s5+s3], $0x80, v3, vm0, $0xb8;
	[tilespmem:$0x18200] =	vst v63  }
0x1ac: {  	s19 =	simm.s32 $0x5A00  }
0x1ad: {  	[tilespmem:s19], [sflag:$0x1] =	stream.indirect_vreg.gather [hbm4b:s6+s3], $0x80, v3, vm0, $0xb8;
	[tilespmem:$0x18200] =	vst v63  }
0x1ae: {  	_ =	swait.ge [sflag:s13], $0x3000  }
0x1af: {  	[sflag:s13] =	ssyncset.done $0x0  }
0x1b0: {  	[sflag:s13] =	ssyncadd.s32 $0xFFFFD000  }
0x1b1: {  	_ =	swait.ge [sflag:s13], $0x3000  }
0x1b2: {  	[sflag:s13] =	ssyncset.done $0x0  }
0x1b3: {  	s19 =	rddreg [dreg:$0xa];
	[sflag:s13] =	ssyncadd.s32 $0xFFFFD000  }
0x1b4: {  	[hbm4b:s19+s3] =	stream.linear.scatter [tilespmem:s4], [sflag:$0x6], $0x6000, $0x38;
	[tilespmem:$0x18200] =	vst v63  }
0x1b5: {  	_ =	swait.ge [sflag:s14], $0x6000  }
0x1b6: {  	[sflag:s14] =	ssyncset.done $0x0  }
0x1b7: {  	[sflag:s14] =	ssyncadd.s32 $0xFFFFA000  }
0x1b8: {  	v3 =	vld [tilespmem:$0x90];
	_ =	sdelay $0x4  }
0x1b9: {  	v50 =	vshrl.u32 v3, $0x3  }
0x1ba: {  	v4 =	vmul.u32 $0x30, v50  }
0x1bb: {  	v3 =	vand.u32 $0x7, v3  }
0x1bc: {  	v3 =	vor.u32 v3, v4  }
0x1bd: {  	v4 =	vperm.xlane v3, v0;
	_ =	sdelay $0x1  }
0x1be: {  	v4 =	vadd.s32 v1, v4;
	_ =	sdelay $0x3  }
0x1bf: {  	v3 =	vperm.xlane v3, v2  }
0x1c0: {  	[tilespmem:s4], [sflag:$0x2] =	stream.indirect_vreg.gather [hbm4b:s1+s3], $0x80, v4, vm0, $0xb8;
	[tilespmem:$0x18200] =	vst v63  }
0x1c1: {  	s23 =	simm.s32 $0x6A00;
	v3 =	vadd.s32 v1, v3  }
0x1c2: {  	[tilespmem:s23], [sflag:$0x2] =	stream.indirect_vreg.gather [hbm4b:s5+s3], $0x80, v4, vm0, $0xb8;
	[tilespmem:$0x18200] =	vst v63  }
0x1c3: {  	s23 =	simm.s32 $0x7200  }
0x1c4: {  	[tilespmem:s23], [sflag:$0x2] =	stream.indirect_vreg.gather [hbm4b:s6+s3], $0x80, v4, vm0, $0xb8;
	[tilespmem:$0x18200] =	vst v63  }
0x1c5: {  	s23 =	simm.s32 $0x9200  }
0x1c6: {  	[tilespmem:s23], [sflag:$0x2] =	stream.indirect_vreg.gather [hbm4b:s1+s3], $0x80, v3, vm0, $0xb8;
	[tilespmem:$0x18200] =	vst v63  }
0x1c7: {  	s23 =	simm.s32 $0x9A00  }
0x1c8: {  	[tilespmem:s23], [sflag:$0x2] =	stream.indirect_vreg.gather [hbm4b:s5+s3], $0x80, v3, vm0, $0xb8;
	[tilespmem:$0x18200] =	vst v63  }
0x1c9: {  	s23 =	simm.s32 $0xA200  }
0x1ca: {  	[tilespmem:s23], [sflag:$0x2] =	stream.indirect_vreg.gather [hbm4b:s6+s3], $0x80, v3, vm0, $0xb8;
	[tilespmem:$0x18200] =	vst v63  }
0x1cb: {  	v3 =	vld [tilespmem:$0x190];
	_ =	sdelay $0x4  }
0x1cc: {  	v51 =	vshrl.u32 v3, $0x3  }
0x1cd: {  	v4 =	vmul.u32 $0x30, v51  }
0x1ce: {  	v3 =	vand.u32 $0x7, v3  }
0x1cf: {  	v3 =	vor.u32 v3, v4  }
0x1d0: {  	v4 =	vperm.xlane v3, v0;
	_ =	sdelay $0x1  }
0x1d1: {  	v4 =	vadd.s32 v1, v4;
	_ =	sdelay $0x3  }
0x1d2: {  	s23 =	simm.s32 $0x7A00;
	v3 =	vperm.xlane v3, v2  }
0x1d3: {  	[tilespmem:s23], [sflag:$0x2] =	stream.indirect_vreg.gather [hbm4b:s1+s3], $0x80, v4, vm0, $0xb8;
	[tilespmem:$0x18200] =	vst v63  }
0x1d4: {  	v3 =	vadd.s32 v1, v3;
	s23 =	simm.s32 $0x8200  }
0x1d5: {  	[tilespmem:s23], [sflag:$0x2] =	stream.indirect_vreg.gather [hbm4b:s5+s3], $0x80, v4, vm0, $0xb8;
	[tilespmem:$0x18200] =	vst v63  }
0x1d6: {  	_ = 	snop  }
0x1d7: {  	[tilespmem:s24], [sflag:$0x2] =	stream.indirect_vreg.gather [hbm4b:s6+s3], $0x80, v4, vm0, $0xb8;
	[tilespmem:$0x18200] =	vst v63  }
0x1d8: {  	_ = 	snop  }
0x1d9: {  	[tilespmem:s25], [sflag:$0x2] =	stream.indirect_vreg.gather [hbm4b:s1+s3], $0x80, v3, vm0, $0xb8;
	[tilespmem:$0x18200] =	vst v63  }
0x1da: {  	_ = 	snop  }
0x1db: {  	[tilespmem:s26], [sflag:$0x2] =	stream.indirect_vreg.gather [hbm4b:s5+s3], $0x80, v3, vm0, $0xb8;
	[tilespmem:$0x18200] =	vst v63  }
0x1dc: {  	_ = 	snop  }
0x1dd: {  	[tilespmem:s28], [sflag:$0x2] =	stream.indirect_vreg.gather [hbm4b:s6+s3], $0x80, v3, vm0, $0xb8;
	[tilespmem:$0x18200] =	vst v63  }
0x1de: {  	_ =	swait.ge [sflag:s15], $0x3000  }
0x1df: {  	[sflag:s15] =	ssyncset.done $0x0  }
0x1e0: {  	[sflag:s15] =	ssyncadd.s32 $0xFFFFD000  }
0x1e1: {  	_ =	swait.ge [sflag:s15], $0x3000  }
0x1e2: {  	[sflag:s15] =	ssyncset.done $0x0  }
0x1e3: {  	s26 =	rddreg [dreg:$0xb];
	[sflag:s15] =	ssyncadd.s32 $0xFFFFD000  }
0x1e4: {  	[hbm4b:s26+s3] =	stream.linear.scatter [tilespmem:s22], [sflag:$0x7], $0x6000, $0x38;
	[tilespmem:$0x18200] =	vst v63  }
0x1e5: {  	_ =	swait.ge [sflag:s16], $0x6000  }
0x1e6: {  	[sflag:s16] =	ssyncset.done $0x0  }
0x1e7: {  	[sflag:s16] =	ssyncadd.s32 $0xFFFFA000  }
0x1e8: {  	v3 =	vld [tilespmem:$0xA0];
	_ =	sdelay $0x4  }
0x1e9: {  	v52 =	vshrl.u32 v3, $0x3  }
0x1ea: {  	v4 =	vmul.u32 $0x30, v52  }
0x1eb: {  	v3 =	vand.u32 $0x7, v3  }
0x1ec: {  	v3 =	vor.u32 v3, v4  }
0x1ed: {  	v4 =	vperm.xlane v3, v0;
	_ =	sdelay $0x1  }
0x1ee: {  	v4 =	vadd.s32 v1, v4;
	_ =	sdelay $0x3  }
0x1ef: {  	v3 =	vperm.xlane v3, v2  }
0x1f0: {  	[tilespmem:s22], [sflag:$0x3] =	stream.indirect_vreg.gather [hbm4b:s1+s3], $0x80, v4, vm0, $0xb8;
	[tilespmem:$0x18200] =	vst v63  }
0x1f1: {  	v3 =	vadd.s32 v1, v3  }
0x1f2: {  	[tilespmem:s29], [sflag:$0x3] =	stream.indirect_vreg.gather [hbm4b:s5+s3], $0x80, v4, vm0, $0xb8;
	[tilespmem:$0x18200] =	vst v63  }
0x1f3: {  	_ = 	snop  }
0x1f4: {  	[tilespmem:s30], [sflag:$0x3] =	stream.indirect_vreg.gather [hbm4b:s6+s3], $0x80, v4, vm0, $0xb8;
	[tilespmem:$0x18200] =	vst v63  }
0x1f5: {  	_ = 	snop  }
0x1f6: {  	[tilespmem:s31], [sflag:$0x3] =	stream.indirect_vreg.gather [hbm4b:s1+s3], $0x80, v3, vm0, $0xb8;
	[tilespmem:$0x18200] =	vst v63  }
0x1f7: {  	_ = 	snop  }
0x1f8: {  	[tilespmem:s0], [sflag:$0x3] =	stream.indirect_vreg.gather [hbm4b:s5+s3], $0x80, v3, vm0, $0xb8;
	[tilespmem:$0x18200] =	vst v63  }
0x1f9: {  	s30 =	simm.s32 $0x10200  }
0x1fa: {  	[tilespmem:s30], [sflag:$0x3] =	stream.indirect_vreg.gather [hbm4b:s6+s3], $0x80, v3, vm0, $0xb8;
	[tilespmem:$0x18200] =	vst v63  }
0x1fb: {  	v3 =	vld [tilespmem:$0x1A0];
	_ =	sdelay $0x4  }
0x1fc: {  	v53 =	vshrl.u32 v3, $0x3  }
0x1fd: {  	v4 =	vmul.u32 $0x30, v53  }
0x1fe: {  	v3 =	vand.u32 $0x7, v3  }
0x1ff: {  	v3 =	vor.u32 v3, v4  }
0x200: {  	v4 =	vperm.xlane v3, v0;
	_ =	sdelay $0x1  }
0x201: {  	v4 =	vadd.s32 v1, v4;
	_ =	sdelay $0x3  }
0x202: {  	s31 =	simm.s32 $0xDA00;
	v3 =	vperm.xlane v3, v2  }
0x203: {  	[tilespmem:s31], [sflag:$0x3] =	stream.indirect_vreg.gather [hbm4b:s1+s3], $0x80, v4, vm0, $0xb8;
	[tilespmem:$0x18200] =	vst v63  }
0x204: {  	v3 =	vadd.s32 v1, v3  }
0x205: {  	[tilespmem:s21], [sflag:$0x3] =	stream.indirect_vreg.gather [hbm4b:s5+s3], $0x80, v4, vm0, $0xb8;
	[tilespmem:$0x18200] =	vst v63  }
0x206: {  	_ = 	snop  }
0x207: {  	[tilespmem:s8], [sflag:$0x3] =	stream.indirect_vreg.gather [hbm4b:s6+s3], $0x80, v4, vm0, $0xb8;
	[tilespmem:$0x18200] =	vst v63  }
0x208: {  	_ = 	snop  }
0x209: {  	[tilespmem:s9], [sflag:$0x3] =	stream.indirect_vreg.gather [hbm4b:s1+s3], $0x80, v3, vm0, $0xb8;
	[tilespmem:$0x18200] =	vst v63  }
0x20a: {  	_ = 	snop  }
0x20b: {  	[tilespmem:s10], [sflag:$0x3] =	stream.indirect_vreg.gather [hbm4b:s5+s3], $0x80, v3, vm0, $0xb8;
	[tilespmem:$0x18200] =	vst v63  }
0x20c: {  	s30 =	simm.s32 $0x11A00  }
0x20d: {  	[tilespmem:s30], [sflag:$0x3] =	stream.indirect_vreg.gather [hbm4b:s6+s3], $0x80, v3, vm0, $0xb8;
	[tilespmem:$0x18200] =	vst v63  }
0x20e: {  	_ =	swait.ge [sflag:s17], $0x3000  }
0x20f: {  	[sflag:s17] =	ssyncset.done $0x0  }
0x210: {  	[sflag:s17] =	ssyncadd.s32 $0xFFFFD000  }
0x211: {  	_ =	swait.ge [sflag:s17], $0x3000  }
0x212: {  	[sflag:s17] =	ssyncset.done $0x0  }
0x213: {  	s31 =	rddreg [dreg:$0xc];
	[sflag:s17] =	ssyncadd.s32 $0xFFFFD000  }
0x214: {  	[hbm4b:s31+s3] =	stream.linear.scatter [tilespmem:s2], [sflag:$0x8], $0x6000, $0x38;
	[tilespmem:$0x18200] =	vst v63  }
0x215: {  	_ =	swait.ge [sflag:s18], $0x6000  }
0x216: {  	[sflag:s18] =	ssyncset.done $0x0  }
0x217: {  	[sflag:s18] =	ssyncadd.s32 $0xFFFFA000  }
0x218: {  	v3 =	vld [tilespmem:$0xB0];
	_ =	sdelay $0x4  }
0x219: {  	v54 =	vshrl.u32 v3, $0x3  }
0x21a: {  	v4 =	vmul.u32 $0x30, v54  }
0x21b: {  	v3 =	vand.u32 $0x7, v3  }
0x21c: {  	v3 =	vor.u32 v3, v4  }
0x21d: {  	v4 =	vperm.xlane v3, v0;
	_ =	sdelay $0x1  }
0x21e: {  	v4 =	vadd.s32 v1, v4;
	_ =	sdelay $0x3  }
0x21f: {  	v3 =	vperm.xlane v3, v2  }
0x220: {  	[tilespmem:s2], [sflag:$0x4] =	stream.indirect_vreg.gather [hbm4b:s1+s3], $0x80, v4, vm0, $0xb8;
	[tilespmem:$0x18200] =	vst v63  }
0x221: {  	s30 =	simm.s32 $0x12A00;
	v3 =	vadd.s32 v1, v3  }
0x222: {  	[tilespmem:s30], [sflag:$0x4] =	stream.indirect_vreg.gather [hbm4b:s5+s3], $0x80, v4, vm0, $0xb8;
	[tilespmem:$0x18200] =	vst v63  }
0x223: {  	s31 =	simm.s32 $0x13200  }
0x224: {  	[tilespmem:s31], [sflag:$0x4] =	stream.indirect_vreg.gather [hbm4b:s6+s3], $0x80, v4, vm0, $0xb8;
	[tilespmem:$0x18200] =	vst v63  }
0x225: {  	s19 =	simm.s32 $0x15200  }
0x226: {  	[tilespmem:s19], [sflag:$0x4] =	stream.indirect_vreg.gather [hbm4b:s1+s3], $0x80, v3, vm0, $0xb8;
	[tilespmem:$0x18200] =	vst v63  }
0x227: {  	s19 =	simm.s32 $0x15A00  }
0x228: {  	[tilespmem:s19], [sflag:$0x4] =	stream.indirect_vreg.gather [hbm4b:s5+s3], $0x80, v3, vm0, $0xb8;
	[tilespmem:$0x18200] =	vst v63  }
0x229: {  	s19 =	simm.s32 $0x16200  }
0x22a: {  	[tilespmem:s19], [sflag:$0x4] =	stream.indirect_vreg.gather [hbm4b:s6+s3], $0x80, v3, vm0, $0xb8;
	[tilespmem:$0x18200] =	vst v63  }
0x22b: {  	v3 =	vld [tilespmem:$0x1B0];
	_ =	sdelay $0x4  }
0x22c: {  	v55 =	vshrl.u32 v3, $0x3  }
0x22d: {  	v4 =	vmul.u32 $0x30, v55  }
0x22e: {  	v3 =	vand.u32 $0x7, v3  }
0x22f: {  	v3 =	vor.u32 v3, v4  }
0x230: {  	v4 =	vperm.xlane v3, v0;
	_ =	sdelay $0x1  }
0x231: {  	v4 =	vadd.s32 v1, v4;
	_ =	sdelay $0x3  }
0x232: {  	s19 =	simm.s32 $0x13A00;
	v3 =	vperm.xlane v3, v2  }
0x233: {  	[tilespmem:s19], [sflag:$0x4] =	stream.indirect_vreg.gather [hbm4b:s1+s3], $0x80, v4, vm0, $0xb8;
	[tilespmem:$0x18200] =	vst v63  }
0x234: {  	v3 =	vadd.s32 v1, v3;
	s19 =	simm.s32 $0x14200  }
0x235: {  	[tilespmem:s19], [sflag:$0x4] =	stream.indirect_vreg.gather [hbm4b:s5+s3], $0x80, v4, vm0, $0xb8;
	[tilespmem:$0x18200] =	vst v63  }
0x236: {  	s19 =	simm.s32 $0x14A00  }
0x237: {  	[tilespmem:s19], [sflag:$0x4] =	stream.indirect_vreg.gather [hbm4b:s6+s3], $0x80, v4, vm0, $0xb8;
	[tilespmem:$0x18200] =	vst v63  }
0x238: {  	s19 =	simm.s32 $0x16A00  }
0x239: {  	[tilespmem:s19], [sflag:$0x4] =	stream.indirect_vreg.gather [hbm4b:s1+s3], $0x80, v3, vm0, $0xb8;
	[tilespmem:$0x18200] =	vst v63  }
0x23a: {  	s19 =	simm.s32 $0x17200  }
0x23b: {  	[tilespmem:s19], [sflag:$0x4] =	stream.indirect_vreg.gather [hbm4b:s5+s3], $0x80, v3, vm0, $0xb8;
	[tilespmem:$0x18200] =	vst v63  }
0x23c: {  	s19 =	simm.s32 $0x17A00  }
0x23d: {  	[tilespmem:s19], [sflag:$0x4] =	stream.indirect_vreg.gather [hbm4b:s6+s3], $0x80, v3, vm0, $0xb8;
	[tilespmem:$0x18200] =	vst v63  }
0x23e: {  	_ =	swait.ge [sflag:s11], $0x3000  }
0x23f: {  	[sflag:s11] =	ssyncset.done $0x0  }
0x240: {  	[sflag:s11] =	ssyncadd.s32 $0xFFFFD000  }
0x241: {  	_ =	swait.ge [sflag:s11], $0x3000  }
0x242: {  	[sflag:s11] =	ssyncset.done $0x0  }
0x243: {  	s19 =	rddreg [dreg:$0xd];
	[sflag:s11] =	ssyncadd.s32 $0xFFFFD000  }
0x244: {  	[hbm4b:s19+s3] =	stream.linear.scatter [tilespmem:s20], [sflag:$0x5], $0x6000, $0x38;
	[tilespmem:$0x18200] =	vst v63  }
0x245: {  	_ =	swait.ge [sflag:s12], $0x6000  }
0x246: {  	[sflag:s12] =	ssyncset.done $0x0  }
0x247: {  	[sflag:s12] =	ssyncadd.s32 $0xFFFFA000  }
0x248: {  	v3 =	vld [tilespmem:$0xC0];
	_ =	sdelay $0x4  }
0x249: {  	v56 =	vshrl.u32 v3, $0x3  }
0x24a: {  	v4 =	vmul.u32 $0x30, v56  }
0x24b: {  	v3 =	vand.u32 $0x7, v3  }
0x24c: {  	v3 =	vor.u32 v3, v4  }
0x24d: {  	v4 =	vperm.xlane v3, v0;
	_ =	sdelay $0x1  }
0x24e: {  	v4 =	vadd.s32 v1, v4;
	_ =	sdelay $0x3  }
0x24f: {  	v3 =	vperm.xlane v3, v2  }
0x250: {  	[tilespmem:s20], [sflag:$0x1] =	stream.indirect_vreg.gather [hbm4b:s1+s3], $0x80, v4, vm0, $0xb8;
	[tilespmem:$0x18200] =	vst v63  }
0x251: {  	s19 =	simm.s32 $0xA00;
	v3 =	vadd.s32 v1, v3  }
0x252: {  	[tilespmem:s19], [sflag:$0x1] =	stream.indirect_vreg.gather [hbm4b:s5+s3], $0x80, v4, vm0, $0xb8;
	[tilespmem:$0x18200] =	vst v63  }
0x253: {  	s19 =	simm.s32 $0x1200  }
0x254: {  	[tilespmem:s19], [sflag:$0x1] =	stream.indirect_vreg.gather [hbm4b:s6+s3], $0x80, v4, vm0, $0xb8;
	[tilespmem:$0x18200] =	vst v63  }
0x255: {  	s19 =	simm.s32 $0x3200  }
0x256: {  	[tilespmem:s19], [sflag:$0x1] =	stream.indirect_vreg.gather [hbm4b:s1+s3], $0x80, v3, vm0, $0xb8;
	[tilespmem:$0x18200] =	vst v63  }
0x257: {  	s19 =	simm.s32 $0x3A00  }
0x258: {  	[tilespmem:s19], [sflag:$0x1] =	stream.indirect_vreg.gather [hbm4b:s5+s3], $0x80, v3, vm0, $0xb8;
	[tilespmem:$0x18200] =	vst v63  }
0x259: {  	s19 =	simm.s32 $0x4200  }
0x25a: {  	[tilespmem:s19], [sflag:$0x1] =	stream.indirect_vreg.gather [hbm4b:s6+s3], $0x80, v3, vm0, $0xb8;
	[tilespmem:$0x18200] =	vst v63  }
0x25b: {  	v3 =	vld [tilespmem:$0x1C0];
	_ =	sdelay $0x4  }
0x25c: {  	v57 =	vshrl.u32 v3, $0x3  }
0x25d: {  	v4 =	vmul.u32 $0x30, v57  }
0x25e: {  	v3 =	vand.u32 $0x7, v3  }
0x25f: {  	v3 =	vor.u32 v3, v4  }
0x260: {  	v4 =	vperm.xlane v3, v0;
	_ =	sdelay $0x1  }
0x261: {  	v4 =	vadd.s32 v1, v4;
	_ =	sdelay $0x3  }
0x262: {  	s19 =	simm.s32 $0x1A00;
	v3 =	vperm.xlane v3, v2  }
0x263: {  	[tilespmem:s19], [sflag:$0x1] =	stream.indirect_vreg.gather [hbm4b:s1+s3], $0x80, v4, vm0, $0xb8;
	[tilespmem:$0x18200] =	vst v63  }
0x264: {  	v3 =	vadd.s32 v1, v3;
	s19 =	simm.s32 $0x2200  }
0x265: {  	[tilespmem:s19], [sflag:$0x1] =	stream.indirect_vreg.gather [hbm4b:s5+s3], $0x80, v4, vm0, $0xb8;
	[tilespmem:$0x18200] =	vst v63  }
0x266: {  	s19 =	simm.s32 $0x2A00  }
0x267: {  	[tilespmem:s19], [sflag:$0x1] =	stream.indirect_vreg.gather [hbm4b:s6+s3], $0x80, v4, vm0, $0xb8;
	[tilespmem:$0x18200] =	vst v63  }
0x268: {  	s19 =	simm.s32 $0x4A00  }
0x269: {  	[tilespmem:s19], [sflag:$0x1] =	stream.indirect_vreg.gather [hbm4b:s1+s3], $0x80, v3, vm0, $0xb8;
	[tilespmem:$0x18200] =	vst v63  }
0x26a: {  	s19 =	simm.s32 $0x5200  }
0x26b: {  	[tilespmem:s19], [sflag:$0x1] =	stream.indirect_vreg.gather [hbm4b:s5+s3], $0x80, v3, vm0, $0xb8;
	[tilespmem:$0x18200] =	vst v63  }
0x26c: {  	s19 =	simm.s32 $0x5A00  }
0x26d: {  	[tilespmem:s19], [sflag:$0x1] =	stream.indirect_vreg.gather [hbm4b:s6+s3], $0x80, v3, vm0, $0xb8;
	[tilespmem:$0x18200] =	vst v63  }
0x26e: {  	_ =	swait.ge [sflag:s13], $0x3000  }
0x26f: {  	[sflag:s13] =	ssyncset.done $0x0  }
0x270: {  	[sflag:s13] =	ssyncadd.s32 $0xFFFFD000  }
0x271: {  	_ =	swait.ge [sflag:s13], $0x3000  }
0x272: {  	[sflag:s13] =	ssyncset.done $0x0  }
0x273: {  	s19 =	rddreg [dreg:$0xe];
	[sflag:s13] =	ssyncadd.s32 $0xFFFFD000  }
0x274: {  	[hbm4b:s19+s3] =	stream.linear.scatter [tilespmem:s4], [sflag:$0x6], $0x6000, $0x38;
	[tilespmem:$0x18200] =	vst v63  }
0x275: {  	_ =	swait.ge [sflag:s14], $0x6000  }
0x276: {  	[sflag:s14] =	ssyncset.done $0x0  }
0x277: {  	[sflag:s14] =	ssyncadd.s32 $0xFFFFA000  }
0x278: {  	v3 =	vld [tilespmem:$0xD0];
	_ =	sdelay $0x4  }
0x279: {  	v58 =	vshrl.u32 v3, $0x3  }
0x27a: {  	v4 =	vmul.u32 $0x30, v58  }
0x27b: {  	v3 =	vand.u32 $0x7, v3  }
0x27c: {  	v3 =	vor.u32 v3, v4  }
0x27d: {  	v4 =	vperm.xlane v3, v0;
	_ =	sdelay $0x1  }
0x27e: {  	v4 =	vadd.s32 v1, v4;
	_ =	sdelay $0x3  }
0x27f: {  	v3 =	vperm.xlane v3, v2  }
0x280: {  	[tilespmem:s4], [sflag:$0x2] =	stream.indirect_vreg.gather [hbm4b:s1+s3], $0x80, v4, vm0, $0xb8;
	[tilespmem:$0x18200] =	vst v63  }
0x281: {  	s19 =	simm.s32 $0x6A00;
	v3 =	vadd.s32 v1, v3  }
0x282: {  	[tilespmem:s19], [sflag:$0x2] =	stream.indirect_vreg.gather [hbm4b:s5+s3], $0x80, v4, vm0, $0xb8;
	[tilespmem:$0x18200] =	vst v63  }
0x283: {  	s19 =	simm.s32 $0x7200  }
0x284: {  	[tilespmem:s19], [sflag:$0x2] =	stream.indirect_vreg.gather [hbm4b:s6+s3], $0x80, v4, vm0, $0xb8;
	[tilespmem:$0x18200] =	vst v63  }
0x285: {  	s19 =	simm.s32 $0x9200  }
0x286: {  	[tilespmem:s19], [sflag:$0x2] =	stream.indirect_vreg.gather [hbm4b:s1+s3], $0x80, v3, vm0, $0xb8;
	[tilespmem:$0x18200] =	vst v63  }
0x287: {  	s19 =	simm.s32 $0x9A00  }
0x288: {  	[tilespmem:s19], [sflag:$0x2] =	stream.indirect_vreg.gather [hbm4b:s5+s3], $0x80, v3, vm0, $0xb8;
	[tilespmem:$0x18200] =	vst v63  }
0x289: {  	s19 =	simm.s32 $0xA200  }
0x28a: {  	[tilespmem:s19], [sflag:$0x2] =	stream.indirect_vreg.gather [hbm4b:s6+s3], $0x80, v3, vm0, $0xb8;
	[tilespmem:$0x18200] =	vst v63  }
0x28b: {  	v3 =	vld [tilespmem:$0x1D0];
	_ =	sdelay $0x4  }
0x28c: {  	v59 =	vshrl.u32 v3, $0x3  }
0x28d: {  	v4 =	vmul.u32 $0x30, v59  }
0x28e: {  	v3 =	vand.u32 $0x7, v3  }
0x28f: {  	v3 =	vor.u32 v3, v4  }
0x290: {  	v4 =	vperm.xlane v3, v0;
	_ =	sdelay $0x1  }
0x291: {  	v4 =	vadd.s32 v1, v4;
	_ =	sdelay $0x3  }
0x292: {  	s19 =	simm.s32 $0x7A00;
	v3 =	vperm.xlane v3, v2  }
0x293: {  	[tilespmem:s19], [sflag:$0x2] =	stream.indirect_vreg.gather [hbm4b:s1+s3], $0x80, v4, vm0, $0xb8;
	[tilespmem:$0x18200] =	vst v63  }
0x294: {  	v3 =	vadd.s32 v1, v3;
	s19 =	simm.s32 $0x8200  }
0x295: {  	[tilespmem:s19], [sflag:$0x2] =	stream.indirect_vreg.gather [hbm4b:s5+s3], $0x80, v4, vm0, $0xb8;
	[tilespmem:$0x18200] =	vst v63  }
0x296: {  	s24 =	simm.s32 $0x8A00  }
0x297: {  	[tilespmem:s24], [sflag:$0x2] =	stream.indirect_vreg.gather [hbm4b:s6+s3], $0x80, v4, vm0, $0xb8;
	[tilespmem:$0x18200] =	vst v63  }
0x298: {  	s24 =	simm.s32 $0xAA00  }
0x299: {  	[tilespmem:s24], [sflag:$0x2] =	stream.indirect_vreg.gather [hbm4b:s1+s3], $0x80, v3, vm0, $0xb8;
	[tilespmem:$0x18200] =	vst v63  }
0x29a: {  	s23 =	simm.s32 $0xB200  }
0x29b: {  	[tilespmem:s23], [sflag:$0x2] =	stream.indirect_vreg.gather [hbm4b:s5+s3], $0x80, v3, vm0, $0xb8;
	[tilespmem:$0x18200] =	vst v63  }
0x29c: {  	s28 =	simm.s32 $0xBA00  }
0x29d: {  	[tilespmem:s28], [sflag:$0x2] =	stream.indirect_vreg.gather [hbm4b:s6+s3], $0x80, v3, vm0, $0xb8;
	[tilespmem:$0x18200] =	vst v63  }
0x29e: {  	_ =	swait.ge [sflag:s15], $0x3000  }
0x29f: {  	[sflag:s15] =	ssyncset.done $0x0  }
0x2a0: {  	[sflag:s15] =	ssyncadd.s32 $0xFFFFD000  }
0x2a1: {  	_ =	swait.ge [sflag:s15], $0x3000  }
0x2a2: {  	[sflag:s15] =	ssyncset.done $0x0  }
0x2a3: {  	s24 =	rddreg [dreg:$0xf];
	[sflag:s15] =	ssyncadd.s32 $0xFFFFD000  }
0x2a4: {  	[hbm4b:s24+s3] =	stream.linear.scatter [tilespmem:s22], [sflag:$0x7], $0x6000, $0x38;
	[tilespmem:$0x18200] =	vst v63  }
0x2a5: {  	_ =	swait.ge [sflag:s16], $0x6000  }
0x2a6: {  	[sflag:s16] =	ssyncset.done $0x0  }
0x2a7: {  	[sflag:s16] =	ssyncadd.s32 $0xFFFFA000  }
0x2a8: {  	v3 =	vld [tilespmem:$0xE0];
	_ =	sdelay $0x4  }
0x2a9: {  	v60 =	vshrl.u32 v3, $0x3  }
0x2aa: {  	v4 =	vmul.u32 $0x30, v60  }
0x2ab: {  	v3 =	vand.u32 $0x7, v3  }
0x2ac: {  	v3 =	vor.u32 v3, v4  }
0x2ad: {  	v4 =	vperm.xlane v3, v0;
	_ =	sdelay $0x1  }
0x2ae: {  	v4 =	vadd.s32 v1, v4;
	_ =	sdelay $0x3  }
0x2af: {  	v3 =	vperm.xlane v3, v2  }
0x2b0: {  	[tilespmem:s22], [sflag:$0x3] =	stream.indirect_vreg.gather [hbm4b:s1+s3], $0x80, v4, vm0, $0xb8;
	[tilespmem:$0x18200] =	vst v63  }
0x2b1: {  	s25 =	simm.s32 $0xCA00;
	v3 =	vadd.s32 v1, v3  }
0x2b2: {  	[tilespmem:s25], [sflag:$0x3] =	stream.indirect_vreg.gather [hbm4b:s5+s3], $0x80, v4, vm0, $0xb8;
	[tilespmem:$0x18200] =	vst v63  }
0x2b3: {  	s26 =	simm.s32 $0xD200  }
0x2b4: {  	[tilespmem:s26], [sflag:$0x3] =	stream.indirect_vreg.gather [hbm4b:s6+s3], $0x80, v4, vm0, $0xb8;
	[tilespmem:$0x18200] =	vst v63  }
0x2b5: {  	s29 =	simm.s32 $0xF200  }
0x2b6: {  	[tilespmem:s29], [sflag:$0x3] =	stream.indirect_vreg.gather [hbm4b:s1+s3], $0x80, v3, vm0, $0xb8;
	[tilespmem:$0x18200] =	vst v63  }
0x2b7: {  	s0 =	simm.s32 $0xFA00  }
0x2b8: {  	[tilespmem:s0], [sflag:$0x3] =	stream.indirect_vreg.gather [hbm4b:s5+s3], $0x80, v3, vm0, $0xb8;
	[tilespmem:$0x18200] =	vst v63  }
0x2b9: {  	s26 =	simm.s32 $0x10200  }
0x2ba: {  	[tilespmem:s26], [sflag:$0x3] =	stream.indirect_vreg.gather [hbm4b:s6+s3], $0x80, v3, vm0, $0xb8;
	[tilespmem:$0x18200] =	vst v63  }
0x2bb: {  	v3 =	vld [tilespmem:$0x1E0];
	_ =	sdelay $0x4  }
0x2bc: {  	v61 =	vshrl.u32 v3, $0x3  }
0x2bd: {  	v4 =	vmul.u32 $0x30, v61  }
0x2be: {  	v3 =	vand.u32 $0x7, v3  }
0x2bf: {  	v3 =	vor.u32 v3, v4  }
0x2c0: {  	v4 =	vperm.xlane v3, v0;
	_ =	sdelay $0x1  }
0x2c1: {  	v4 =	vadd.s32 v1, v4;
	_ =	sdelay $0x3  }
0x2c2: {  	s28 =	simm.s32 $0xDA00;
	v3 =	vperm.xlane v3, v2  }
0x2c3: {  	[tilespmem:s28], [sflag:$0x3] =	stream.indirect_vreg.gather [hbm4b:s1+s3], $0x80, v4, vm0, $0xb8;
	[tilespmem:$0x18200] =	vst v63  }
0x2c4: {  	s21 =	simm.s32 $0xE200;
	v3 =	vadd.s32 v1, v3  }
0x2c5: {  	[tilespmem:s21], [sflag:$0x3] =	stream.indirect_vreg.gather [hbm4b:s5+s3], $0x80, v4, vm0, $0xb8;
	[tilespmem:$0x18200] =	vst v63  }
0x2c6: {  	s8 =	simm.s32 $0xEA00  }
0x2c7: {  	[tilespmem:s8], [sflag:$0x3] =	stream.indirect_vreg.gather [hbm4b:s6+s3], $0x80, v4, vm0, $0xb8;
	[tilespmem:$0x18200] =	vst v63  }
0x2c8: {  	s9 =	simm.s32 $0x10A00  }
0x2c9: {  	[tilespmem:s9], [sflag:$0x3] =	stream.indirect_vreg.gather [hbm4b:s1+s3], $0x80, v3, vm0, $0xb8;
	[tilespmem:$0x18200] =	vst v63  }
0x2ca: {  	s10 =	simm.s32 $0x11200  }
0x2cb: {  	[tilespmem:s10], [sflag:$0x3] =	stream.indirect_vreg.gather [hbm4b:s5+s3], $0x80, v3, vm0, $0xb8;
	[tilespmem:$0x18200] =	vst v63  }
0x2cc: {  	s29 =	simm.s32 $0x11A00  }
0x2cd: {  	[tilespmem:s29], [sflag:$0x3] =	stream.indirect_vreg.gather [hbm4b:s6+s3], $0x80, v3, vm0, $0xb8;
	[tilespmem:$0x18200] =	vst v63  }
0x2ce: {  	_ =	swait.ge [sflag:s17], $0x3000  }
0x2cf: {  	[sflag:s17] =	ssyncset.done $0x0  }
0x2d0: {  	[sflag:s17] =	ssyncadd.s32 $0xFFFFD000  }
0x2d1: {  	_ =	swait.ge [sflag:s17], $0x3000  }
0x2d2: {  	[sflag:s17] =	ssyncset.done $0x0  }
0x2d3: {  	s0 =	rddreg [dreg:$0x10];
	[sflag:s17] =	ssyncadd.s32 $0xFFFFD000  }
0x2d4: {  	[hbm4b:s0+s3] =	stream.linear.scatter [tilespmem:s2], [sflag:$0x8], $0x6000, $0x38;
	[tilespmem:$0x18200] =	vst v63  }
0x2d5: {  	_ =	swait.ge [sflag:s18], $0x6000  }
0x2d6: {  	[sflag:s18] =	ssyncset.done $0x0  }
0x2d7: {  	[sflag:s18] =	ssyncadd.s32 $0xFFFFA000  }
0x2d8: {  	v3 =	vld [tilespmem:$0xF0];
	_ =	sdelay $0x4  }
0x2d9: {  	v62 =	vshrl.u32 v3, $0x3  }
0x2da: {  	v4 =	vmul.u32 $0x30, v62  }
0x2db: {  	v3 =	vand.u32 $0x7, v3  }
0x2dc: {  	v3 =	vor.u32 v3, v4  }
0x2dd: {  	v4 =	vperm.xlane v3, v0;
	_ =	sdelay $0x1  }
0x2de: {  	v4 =	vadd.s32 v1, v4;
	_ =	sdelay $0x3  }
0x2df: {  	v3 =	vperm.xlane v3, v2  }
0x2e0: {  	[tilespmem:s2], [sflag:$0x4] =	stream.indirect_vreg.gather [hbm4b:s1+s3], $0x80, v4, vm0, $0xb8;
	[tilespmem:$0x18200] =	vst v63  }
0x2e1: {  	s30 =	simm.s32 $0x12A00;
	v3 =	vadd.s32 v1, v3  }
0x2e2: {  	[tilespmem:s30], [sflag:$0x4] =	stream.indirect_vreg.gather [hbm4b:s5+s3], $0x80, v4, vm0, $0xb8;
	[tilespmem:$0x18200] =	vst v63  }
0x2e3: {  	s31 =	simm.s32 $0x13200  }
0x2e4: {  	[tilespmem:s31], [sflag:$0x4] =	stream.indirect_vreg.gather [hbm4b:s6+s3], $0x80, v4, vm0, $0xb8;
	[tilespmem:$0x18200] =	vst v63  }
0x2e5: {  	s8 =	simm.s32 $0x15200  }
0x2e6: {  	[tilespmem:s8], [sflag:$0x4] =	stream.indirect_vreg.gather [hbm4b:s1+s3], $0x80, v3, vm0, $0xb8;
	[tilespmem:$0x18200] =	vst v63  }
0x2e7: {  	s9 =	simm.s32 $0x15A00  }
0x2e8: {  	[tilespmem:s9], [sflag:$0x4] =	stream.indirect_vreg.gather [hbm4b:s5+s3], $0x80, v3, vm0, $0xb8;
	[tilespmem:$0x18200] =	vst v63  }
0x2e9: {  	s10 =	simm.s32 $0x16200  }
0x2ea: {  	[tilespmem:s10], [sflag:$0x4] =	stream.indirect_vreg.gather [hbm4b:s6+s3], $0x80, v3, vm0, $0xb8;
	[tilespmem:$0x18200] =	vst v63  }
0x2eb: {  	v3 =	vld [tilespmem:$0x1F0];
	_ =	sdelay $0x4  }
0x2ec: {  	v63 =	vshrl.u32 v3, $0x3  }
0x2ed: {  	v4 =	vmul.u32 $0x30, v63  }
0x2ee: {  	v3 =	vand.u32 $0x7, v3  }
0x2ef: {  	v3 =	vor.u32 v3, v4  }
0x2f0: {  	v4 =	vperm.xlane v3, v0;
	_ =	sdelay $0x1  }
0x2f1: {  	v4 =	vadd.s32 v1, v4;
	_ =	sdelay $0x3  }
0x2f2: {  	s19 =	simm.s32 $0x13A00;
	v3 =	vperm.xlane v3, v2  }
0x2f3: {  	[tilespmem:s19], [sflag:$0x4] =	stream.indirect_vreg.gather [hbm4b:s1+s3], $0x80, v4, vm0, $0xb8;
	[tilespmem:$0x18200] =	vst v63  }
0x2f4: {  	s21 =	simm.s32 $0x14200;
	v3 =	vadd.s32 v1, v3  }
0x2f5: {  	[tilespmem:s21], [sflag:$0x4] =	stream.indirect_vreg.gather [hbm4b:s5+s3], $0x80, v4, vm0, $0xb8;
	[tilespmem:$0x18200] =	vst v63  }
0x2f6: {  	s23 =	simm.s32 $0x14A00  }
0x2f7: {  	[tilespmem:s23], [sflag:$0x4] =	stream.indirect_vreg.gather [hbm4b:s6+s3], $0x80, v4, vm0, $0xb8;
	[tilespmem:$0x18200] =	vst v63  }
0x2f8: {  	s24 =	simm.s32 $0x16A00  }
0x2f9: {  	[tilespmem:s24], [sflag:$0x4] =	stream.indirect_vreg.gather [hbm4b:s1+s3], $0x80, v3, vm0, $0xb8;
	[tilespmem:$0x18200] =	vst v63  }
0x2fa: {  	s25 =	simm.s32 $0x17200  }
0x2fb: {  	[tilespmem:s25], [sflag:$0x4] =	stream.indirect_vreg.gather [hbm4b:s5+s3], $0x80, v3, vm0, $0xb8;
	[tilespmem:$0x18200] =	vst v63  }
0x2fc: {  	s26 =	simm.s32 $0x17A00  }
0x2fd: {  	[tilespmem:s26], [sflag:$0x4] =	stream.indirect_vreg.gather [hbm4b:s6+s3], $0x80, v3, vm0, $0xb8;
	[tilespmem:$0x18200] =	vst v63  }
0x2fe: {  	_ =	swait.ge [sflag:s11], $0x3000  }
0x2ff: {  	[sflag:s11] =	ssyncset.done $0x0  }
0x300: {  	[sflag:s11] =	ssyncadd.s32 $0xFFFFD000  }
0x301: {  	_ =	swait.ge [sflag:s11], $0x3000  }
0x302: {  	[sflag:s11] =	ssyncset.done $0x0  }
0x303: {  	s28 =	rddreg [dreg:$0x11];
	[sflag:s11] =	ssyncadd.s32 $0xFFFFD000  }
0x304: {  	[hbm4b:s28+s3] =	stream.linear.scatter [tilespmem:s20], [sflag:$0x5], $0x6000, $0x38;
	[tilespmem:$0x18200] =	vst v63  }
0x305: {  	_ =	swait.ge [sflag:s13], $0x3000  }
0x306: {  	[sflag:s13] =	ssyncset.done $0x0  }
0x307: {  	[sflag:s13] =	ssyncadd.s32 $0xFFFFD000  }
0x308: {  	_ =	swait.ge [sflag:s13], $0x3000  }
0x309: {  	[sflag:s13] =	ssyncset.done $0x0  }
0x30a: {  	s29 =	rddreg [dreg:$0x12];
	[sflag:s13] =	ssyncadd.s32 $0xFFFFD000  }
0x30b: {  	[hbm4b:s29+s3] =	stream.linear.scatter [tilespmem:s4], [sflag:$0x6], $0x6000, $0x38;
	[tilespmem:$0x18200] =	vst v63  }
0x30c: {  	_ =	swait.ge [sflag:s15], $0x3000  }
0x30d: {  	[sflag:s15] =	ssyncset.done $0x0  }
0x30e: {  	[sflag:s15] =	ssyncadd.s32 $0xFFFFD000  }
0x30f: {  	_ =	swait.ge [sflag:s15], $0x3000  }
0x310: {  	[sflag:s15] =	ssyncset.done $0x0  }
0x311: {  	s30 =	rddreg [dreg:$0x13];
	[sflag:s15] =	ssyncadd.s32 $0xFFFFD000  }
0x312: {  	[hbm4b:s30+s3] =	stream.linear.scatter [tilespmem:s22], [sflag:$0x7], $0x6000, $0x38;
	[tilespmem:$0x18200] =	vst v63  }
0x313: {  	_ =	swait.ge [sflag:s17], $0x3000  }
0x314: {  	[sflag:s17] =	ssyncset.done $0x0  }
0x315: {  	[sflag:s17] =	ssyncadd.s32 $0xFFFFD000  }
0x316: {  	_ =	swait.ge [sflag:s17], $0x3000  }
0x317: {  	[sflag:s17] =	ssyncset.done $0x0  }
0x318: {  	s31 =	rddreg [dreg:$0x14];
	[sflag:s17] =	ssyncadd.s32 $0xFFFFD000  }
0x319: {  	[hbm4b:s31+s3] =	stream.linear.scatter [tilespmem:s2], [sflag:$0x8], $0x6000, $0x38;
	[tilespmem:$0x18200] =	vst v63  }
0x31a: {  	_ =	swait.ge [sflag:s12], $0x6000  }
0x31b: {  	[sflag:s12] =	ssyncset.done $0x0  }
0x31c: {  	[sflag:s12] =	ssyncadd.s32 $0xFFFFA000  }
0x31d: {  	_ =	swait.ge [sflag:s14], $0x6000  }
0x31e: {  	[sflag:s14] =	ssyncset.done $0x0  }
0x31f: {  	[sflag:s14] =	ssyncadd.s32 $0xFFFFA000  }
0x320: {  	p0 =	sne.s32 s7, $0x1;
	_ =	swait.ge [sflag:s16], $0x6000  }
.Ltmp0:
0x321: {  	[sflag:s16] =	ssyncset.done $0x0;
	(pc) =	sbr.rel @p0 .LBB2_1-.Ltmp0, $4  }
0x322: {  	[sflag:s16] =	ssyncadd.s32 $0xFFFFA000  }
0x323: {  	_ =	swait.ge [sflag:s18], $0x6000  }
0x324: {  	[sflag:s18] =	ssyncset.done $0x0  }
0x325: {  	s7 =	sadd.s32 $0xFFFFFFFF, s7;
	[sflag:s18] =	ssyncadd.s32 $0xFFFFA000  }
0x326: {  	_ =	sfence.sel $0x180000  }
0x327: {  	[bflag:$0x0] =	sbarrier.arrive $0xFFFF  }
0x328: {  	_ =	strace $0x90000047  }
0x329: {  	s0 =	stileid.u32;
	[bflag:$0x2] =	sbarrier.arrive $0xFFFF  }
0x32a: {  	p0 =	sne.s32 s0, $0x0;
	s0 =	rddreg [dreg:$0x3]  }
0x32b: {  	s0 =	sadd.s32 @!p0 $0x100000, s0  }
0x32c: {  	[sflag:s0] =	ssyncadd.tile.s32 @!p0 $0x1;
	_ =	shalt  }
.Lfunc_end2:
_tile_overlayer_lowered:
.L_overlay_start_2:
0x32d: {  	(tag) =	ssettag $0x2  }
0x32e: {  	s0 =	rddreg [dreg:$0x0];
	s2 =	stileid.u32  }
0x32f: {  	s1 =	rddreg [dreg:$0x1];
	p0 =	sne.s32 s2, $0x0  }
0x330: {  	s3 =	rddreg [dreg:$0x2];
	[bflag:$0x3] =	sbarrier.arrive $0xFFFF;
	s2 =	simm.s32 @!p0 $0x1C09  }
0x331: {  	[timem:s3], [sflag:s2] =	dma.local @!p0 [hbm:s0], s1  }
0x332: {  	s0 =	simm.s32 @!p0 $0x9  }
0x333: {  	_ =	swait.ge @!p0 [sflag:s0], s1  }
0x334: {  	s1 =	ssub.s32 @!p0 $0x0, s1;
	[sflag:s0] =	ssyncset.done @!p0 $0x0  }
0x335: {  	[sflag:s0] =	ssyncadd.s32 @!p0 s1  }
0x336: {  	[bflag:$0x3] =	sbarrier.arrive $0xFFFF  }
0x337: {  	_ =	shalt  }

</sc_bundles>
